<compile_context>
chip_gen: v7x
topology: tpu7x:2x2x1
jax: 0.10.2.dev20260603
libtpu: 0.0.44.dev20260713+nightly
codegen_flags: <defaults>
</compile_context>

<pallas_src>
import functools

import jax
import jax.numpy as jnp
from jax import lax
from jax.experimental import pallas as pl
from jax.experimental.pallas import tpu as pltpu
from jax.experimental.pallas import tpu_sc as plsc

N = 10000
NP = 10240
D = 128
E = 320000
EP = 322560
NC = 2
NS = 16
NW = NC * NS
EPW = EP // NW
CH = 112
NCHUNK = EPW // CH
NPAIRW = NCHUNK // 2
RPS = NP // NS
SR = 80


def _make_segsum():
    mesh = plsc.VectorSubcoreMesh(core_axis_name="c", subcore_axis_name="s",
                                  num_cores=2)

    @functools.partial(
        pl.kernel,
        out_type=jax.ShapeDtypeStruct((NC, NP, D), jnp.float32),
        mesh=mesh,
        scratch_types=[
            pltpu.VMEM((4, CH), jnp.int32),
            pltpu.VMEM((2, CH, D), jnp.float32),
            pltpu.VMEM((SR, D), jnp.float32),
            pltpu.SemaphoreType.DMA,
            pltpu.SemaphoreType.DMA,
            pltpu.VMEM_SHARED((NP, D), jnp.float32),
        ],
    )
    def seg(h_hbm, pk_hbm, zeros_hbm, out_hbm,
            idxb, rows, zbuf, sem_a, sem_b, acc):
        c = lax.axis_index("c")
        s = lax.axis_index("s")
        row0 = s * RPS
        pltpu.sync_copy(zeros_hbm.at[pl.ds(0, SR)], zbuf)
        for k in range(RPS // SR):
            pltpu.sync_copy(zbuf, acc.at[pl.ds(row0 + k * SR, SR)])
        plsc.subcore_barrier()
        pair0 = (c * NS + s) * NPAIRW

        def pair(p, carry):
            pltpu.sync_copy(pk_hbm.at[pair0 + p], idxb)
            ga = pltpu.async_copy(h_hbm.at[idxb.at[0]], rows.at[0], sem_a)
            gb = pltpu.async_copy(h_hbm.at[idxb.at[1]], rows.at[1], sem_b)
            ga.wait()
            pltpu.sync_copy(rows.at[0], acc.at[idxb.at[2]], add=True)
            gb.wait()
            pltpu.sync_copy(rows.at[1], acc.at[idxb.at[3]], add=True)
            return carry

        lax.fori_loop(0, NPAIRW, pair, 0)
        plsc.subcore_barrier()
        for k in range(RPS // SR):
            pltpu.sync_copy(acc.at[pl.ds(row0 + k * SR, SR)], zbuf)
            pltpu.sync_copy(zbuf, out_hbm.at[c, pl.ds(row0 + k * SR, SR)])

    return seg


def _make_degcount():
    mesh = plsc.VectorSubcoreMesh(core_axis_name="c", subcore_axis_name="s",
                                  num_cores=2)

    @functools.partial(
        pl.kernel,
        out_type=jax.ShapeDtypeStruct((NC, NP, D), jnp.float32),
        mesh=mesh,
        scratch_types=[
            pltpu.VMEM((CH,), jnp.int32),
            pltpu.VMEM((CH, D), jnp.float32),
            pltpu.VMEM((SR, D), jnp.float32),
            pltpu.VMEM_SHARED((NP, D), jnp.float32),
        ],
    )
    def deg(dst_hbm, zeros_hbm, ones_hbm, deg_hbm, idx_d, ones_v, dbuf,
            dacc):
        c = lax.axis_index("c")
        s = lax.axis_index("s")
        row0 = s * RPS
        pltpu.sync_copy(zeros_hbm.at[pl.ds(0, SR)], dbuf)
        for k in range(RPS // SR):
            pltpu.sync_copy(dbuf, dacc.at[pl.ds(row0 + k * SR, SR)])
        pltpu.sync_copy(ones_hbm, ones_v)
        plsc.subcore_barrier()
        base_w = (c * NS + s) * EPW

        def body(j, carry):
            base = base_w + j * CH
            pltpu.sync_copy(dst_hbm.at[pl.ds(base, CH)], idx_d)
            pltpu.sync_copy(ones_v, dacc.at[idx_d], add=True)
            return carry

        lax.fori_loop(0, NCHUNK, body, 0)
        plsc.subcore_barrier()
        for k in range(RPS // SR):
            pltpu.sync_copy(dacc.at[pl.ds(row0 + k * SR, SR)], dbuf)
            pltpu.sync_copy(dbuf, deg_hbm.at[c, pl.ds(row0 + k * SR, SR)])

    return deg


_segsum = _make_segsum()
_degcount = _make_degcount()

BR = 1280


def _tc_layer(h, S, dg, W, b2, flag):
    Wt = W[:D]
    Wb = W[D:]

    def body(h_ref, s_ref, d_ref, wt_ref, wb_ref, b_ref, f_ref, o_ref):
        deg = jnp.maximum(d_ref[...], 1.0)
        agg = (s_ref[0] + s_ref[1]) / deg
        acc = jnp.dot(h_ref[...], wt_ref[...],
                      preferred_element_type=jnp.float32)
        acc = acc + jnp.dot(agg, wb_ref[...],
                            preferred_element_type=jnp.float32)
        acc = acc + b_ref[...]
        acc = jnp.where(f_ref[...] > 0.0, jnp.maximum(acc, 0.0), acc)
        o_ref[...] = acc

    return pl.pallas_call(
        body,
        grid=(NP // BR,),
        in_specs=[
            pl.BlockSpec((BR, D), lambda i: (i, 0)),
            pl.BlockSpec((NC, BR, D), lambda i: (0, i, 0)),
            pl.BlockSpec((BR, 1), lambda i: (i, 0)),
            pl.BlockSpec((D, D), lambda i: (0, 0)),
            pl.BlockSpec((D, D), lambda i: (0, 0)),
            pl.BlockSpec((1, D), lambda i: (0, 0)),
            pl.BlockSpec((1, D), lambda i: (0, 0)),
        ],
        out_specs=pl.BlockSpec((BR, D), lambda i: (i, 0)),
        out_shape=jax.ShapeDtypeStruct((NP, D), jnp.float32),
    )(h, S, dg, Wt, Wb, b2, flag)


def kernel(x, edge_index, W1, b1, W2, b2, W3, b3):
    src = edge_index[0].astype(jnp.int32)
    dst = edge_index[1].astype(jnp.int32)
    src = jnp.concatenate([src, jnp.zeros((EP - E,), jnp.int32)])
    dst = jnp.concatenate([dst, jnp.full((EP - E,), NP - 1, jnp.int32)])
    sp = src.reshape(-1, 2, CH)
    dp = dst.reshape(-1, 2, CH)
    packed = jnp.concatenate([sp, dp], axis=1)
    x = jnp.pad(x, ((0, NP - N), (0, 0)))
    zeros = jnp.zeros((SR, D), jnp.float32)
    ones = jnp.ones((CH, D), jnp.float32)
    Dg = _degcount(dst, zeros, ones)
    dg = Dg[0, :, 0:1] + Dg[1, :, 0:1]
    Ws = jnp.stack([W1, W2, W3])
    bs = jnp.stack([b1.reshape(1, D), b2.reshape(1, D), b3.reshape(1, D)])
    flags = jnp.ones((3, 1, D), jnp.float32).at[2].set(0.0)

    def step(h, wbf):
        W, b, f = wbf
        S = _segsum(h, packed, zeros)
        return _tc_layer(h, S, dg, W, b, f), None

    hf, _ = lax.scan(step, x, (Ws, bs, flags))
    return hf[:N]

# --- scband reference (transcript-rebuilt; emitter-appended) ---
"""Pipeline reference for scband-sagemodel-18073222381933 (READ-ONLY COPY).

The authoritative reference and input builder live on the scoring server;
editing this copy changes nothing except your own understanding.
"""

import jax, jax.numpy as jnp
import numpy as np

N_NODES = 10000
N_EDGES = 320000
IN_FEATS = 128
N_HIDDEN = 128
N_CLASSES = 128


def setup_inputs(seed: int = 0) -> dict:
    key = jax.random.key(seed)
    ks = jax.random.split(key, 8)
    x = jax.random.normal(ks[0], (N_NODES, IN_FEATS), dtype=jnp.float32)
    edge_index = jax.random.randint(ks[1], (2, N_EDGES), 0, N_NODES, dtype=jnp.int64)
    # Linear layers: W maps concat([dst_x, mean_agg]) (2*d_in) -> d_out
    s1 = 1.0 / np.sqrt(2 * IN_FEATS)
    s2 = 1.0 / np.sqrt(2 * N_HIDDEN)
    W1 = jax.random.uniform(ks[2], (2 * IN_FEATS, N_HIDDEN), jnp.float32, -s1, s1)
    b1 = jax.random.uniform(ks[3], (N_HIDDEN,), jnp.float32, -s1, s1)
    W2 = jax.random.uniform(ks[4], (2 * N_HIDDEN, N_HIDDEN), jnp.float32, -s2, s2)
    b2 = jax.random.uniform(ks[5], (N_HIDDEN,), jnp.float32, -s2, s2)
    W3 = jax.random.uniform(ks[6], (2 * N_HIDDEN, N_CLASSES), jnp.float32, -s2, s2)
    b3 = jax.random.uniform(ks[7], (N_CLASSES,), jnp.float32, -s2, s2)
    return {"x": x, "edge_index": edge_index, "W1": W1, "b1": b1, "W2": W2, "b2": b2, "W3": W3, "b3": b3}


def reference(x, edge_index, W1, b1, W2, b2, W3, b3):
    src = edge_index[0]
    dst = edge_index[1]
    n = x.shape[0]
    deg = jax.ops.segment_sum(jnp.ones((src.shape[0],), dtype=x.dtype), dst, num_segments=n)
    deg = jnp.maximum(deg, 1.0)

    def conv(h, W, b):
        # copy_u: gather src features, mean-reduce onto dst
        msg = jnp.take(h, src, axis=0)
        agg = jax.ops.segment_sum(msg, dst, num_segments=n) / deg[:, None]
        cat = jnp.concatenate([h, agg], axis=1)
        return cat @ W + b

    h = jax.nn.relu(conv(x, W1, b1))
    h = jax.nn.relu(conv(h, W2, b2))
    out = conv(h, W3, b3)
    return out

if __name__ == "__main__":
    import jax
    _d = setup_inputs()
    print(jax.jit(kernel)(*tuple(_d.values())))

</pallas_src>

<mosaic_0001>
#map = affine_map<(d0, d1) -> (0, 0)>
#map1 = affine_map<(d0, d1) -> (0, 0, 0)>
module attributes {stable_mosaic.version = 14 : i64} {
  func.func @seg(%arg0: i32, %arg1: i32, %arg2: memref<10240x128xf32, #tpu.memory_space<hbm>>, %arg3: memref<1440x4x112xi32, #tpu.memory_space<hbm>>, %arg4: memref<80x128xf32, #tpu.memory_space<hbm>>, %arg5: memref<2x10240x128xf32, #tpu.memory_space<hbm>>, %arg6: memref<4x112xi32, #tpu.memory_space<vmem>>, %arg7: memref<2x112x128xf32, #tpu.memory_space<vmem>>, %arg8: memref<80x128xf32, #tpu.memory_space<vmem>>, %arg9: memref<!tpu.dma_semaphore, #tpu.memory_space<semaphore_mem>>, %arg10: memref<!tpu.dma_semaphore, #tpu.memory_space<semaphore_mem>>, %arg11: memref<10240x128xf32, #tpu.memory_space<vmem_shared>>) attributes {dimension_semantics = [#tpu.dimension_semantics<core_parallel>, #tpu.dimension_semantics<subcore_parallel>], iteration_bounds = array<i64: 2, 16>, scalar_prefetch = 0 : i64, scratch_operands = 6 : i64, tpu.core_type = #tpu.core_type<sc_vector_subcore>, window_params = [{transform_indices = #map}, {transform_indices = #map1}, {transform_indices = #map}, {transform_indices = #map1}]} {
    %mul3A = arith.constant 640 : i32
    %mul3A_0 = arith.muli %arg1, %mul3A : i32
    "tpu.region"() ({
      %run_scoped3A = tpu.sem_alloc : memref<!tpu.dma_semaphore, #tpu.memory_space<semaphore_mem>>
      %dma_start3A = arith.constant 0 : i32
      %dma_start3A_59 = arith.constant 0 : i32
      %dma_start3A_60 = tpu.memref_slice %arg4[%dma_start3A, %dma_start3A_59] : memref<80x128xf32, #tpu.memory_space<hbm>> -> memref<80x128xf32, #tpu.memory_space<hbm>>
      %dma_start3A_61 = arith.constant 0 : i32
      %dma_start3A_62 = arith.constant 0 : i32
      %dma_start3A_63 = tpu.memref_slice %arg4[%dma_start3A_61, %dma_start3A_62] : memref<80x128xf32, #tpu.memory_space<hbm>> -> memref<80x128xf32, #tpu.memory_space<hbm>>
      tpu.enqueue_dma source(%dma_start3A_63 : memref<80x128xf32, #tpu.memory_space<hbm>>) target(%arg8 : memref<80x128xf32, #tpu.memory_space<vmem>>) target_semaphore(%run_scoped3A : memref<!tpu.dma_semaphore, #tpu.memory_space<semaphore_mem>>)
      %dma_wait3A = arith.constant 0 : i32
      %dma_wait3A_64 = arith.constant 0 : i32
      %dma_wait3A_65 = tpu.memref_slice %arg4[%dma_wait3A, %dma_wait3A_64] : memref<80x128xf32, #tpu.memory_space<hbm>> -> memref<80x128xf32, #tpu.memory_space<hbm>>
      %dma_wait3A_66 = arith.constant 0 : i32
      %dma_wait3A_67 = arith.constant 0 : i32
      %dma_wait3A_68 = tpu.memref_slice %arg4[%dma_wait3A_66, %dma_wait3A_67] : memref<80x128xf32, #tpu.memory_space<hbm>> -> memref<80x128xf32, #tpu.memory_space<hbm>>
      tpu.wait_dma2 semaphore(%run_scoped3A : memref<!tpu.dma_semaphore, #tpu.memory_space<semaphore_mem>>) src(%dma_wait3A_68 : memref<80x128xf32, #tpu.memory_space<hbm>>) dst(%arg8 : memref<80x128xf32, #tpu.memory_space<vmem>>)
      tpu.yield
    }) : () -> ()
    %add3A = arith.constant 0 : i32
    %add3A_1 = arith.addi %mul3A_0, %add3A : i32
    "tpu.region"() ({
      %run_scoped3A = tpu.sem_alloc : memref<!tpu.dma_semaphore, #tpu.memory_space<semaphore_mem>>
      %dma_start3A = arith.constant 0 : i32
      %dma_start3A_59 = tpu.memref_slice %arg11[%add3A_1, %dma_start3A] : memref<10240x128xf32, #tpu.memory_space<vmem_shared>> -> memref<80x128xf32, #tpu.memory_space<vmem_shared>>
      %dma_start3A_60 = arith.constant 0 : i32
      %dma_start3A_61 = tpu.memref_slice %arg11[%add3A_1, %dma_start3A_60] : memref<10240x128xf32, #tpu.memory_space<vmem_shared>> -> memref<80x128xf32, #tpu.memory_space<vmem_shared>>
      tpu.enqueue_dma source(%arg8 : memref<80x128xf32, #tpu.memory_space<vmem>>) target(%dma_start3A_61 : memref<80x128xf32, #tpu.memory_space<vmem_shared>>) target_semaphore(%run_scoped3A : memref<!tpu.dma_semaphore, #tpu.memory_space<semaphore_mem>>)
      %dma_wait3A = arith.constant 0 : i32
      %dma_wait3A_62 = tpu.memref_slice %arg11[%add3A_1, %dma_wait3A] : memref<10240x128xf32, #tpu.memory_space<vmem_shared>> -> memref<80x128xf32, #tpu.memory_space<vmem_shared>>
      %dma_wait3A_63 = arith.constant 0 : i32
      %dma_wait3A_64 = tpu.memref_slice %arg11[%add3A_1, %dma_wait3A_63] : memref<10240x128xf32, #tpu.memory_space<vmem_shared>> -> memref<80x128xf32, #tpu.memory_space<vmem_shared>>
      tpu.wait_dma2 semaphore(%run_scoped3A : memref<!tpu.dma_semaphore, #tpu.memory_space<semaphore_mem>>) src(%arg8 : memref<80x128xf32, #tpu.memory_space<vmem>>) dst(%dma_wait3A_64 : memref<80x128xf32, #tpu.memory_space<vmem_shared>>)
      tpu.yield
    }) : () -> ()
    %add3A_2 = arith.constant 80 : i32
    %add3A_3 = arith.addi %mul3A_0, %add3A_2 : i32
    "tpu.region"() ({
      %run_scoped3A = tpu.sem_alloc : memref<!tpu.dma_semaphore, #tpu.memory_space<semaphore_mem>>
      %dma_start3A = arith.constant 0 : i32
      %dma_start3A_59 = tpu.memref_slice %arg11[%add3A_3, %dma_start3A] : memref<10240x128xf32, #tpu.memory_space<vmem_shared>> -> memref<80x128xf32, #tpu.memory_space<vmem_shared>>
      %dma_start3A_60 = arith.constant 0 : i32
      %dma_start3A_61 = tpu.memref_slice %arg11[%add3A_3, %dma_start3A_60] : memref<10240x128xf32, #tpu.memory_space<vmem_shared>> -> memref<80x128xf32, #tpu.memory_space<vmem_shared>>
      tpu.enqueue_dma source(%arg8 : memref<80x128xf32, #tpu.memory_space<vmem>>) target(%dma_start3A_61 : memref<80x128xf32, #tpu.memory_space<vmem_shared>>) target_semaphore(%run_scoped3A : memref<!tpu.dma_semaphore, #tpu.memory_space<semaphore_mem>>)
      %dma_wait3A = arith.constant 0 : i32
      %dma_wait3A_62 = tpu.memref_slice %arg11[%add3A_3, %dma_wait3A] : memref<10240x128xf32, #tpu.memory_space<vmem_shared>> -> memref<80x128xf32, #tpu.memory_space<vmem_shared>>
      %dma_wait3A_63 = arith.constant 0 : i32
      %dma_wait3A_64 = tpu.memref_slice %arg11[%add3A_3, %dma_wait3A_63] : memref<10240x128xf32, #tpu.memory_space<vmem_shared>> -> memref<80x128xf32, #tpu.memory_space<vmem_shared>>
      tpu.wait_dma2 semaphore(%run_scoped3A : memref<!tpu.dma_semaphore, #tpu.memory_space<semaphore_mem>>) src(%arg8 : memref<80x128xf32, #tpu.memory_space<vmem>>) dst(%dma_wait3A_64 : memref<80x128xf32, #tpu.memory_space<vmem_shared>>)
      tpu.yield
    }) : () -> ()
    %add3A_4 = arith.constant 160 : i32
    %add3A_5 = arith.addi %mul3A_0, %add3A_4 : i32
    "tpu.region"() ({
      %run_scoped3A = tpu.sem_alloc : memref<!tpu.dma_semaphore, #tpu.memory_space<semaphore_mem>>
      %dma_start3A = arith.constant 0 : i32
      %dma_start3A_59 = tpu.memref_slice %arg11[%add3A_5, %dma_start3A] : memref<10240x128xf32, #tpu.memory_space<vmem_shared>> -> memref<80x128xf32, #tpu.memory_space<vmem_shared>>
      %dma_start3A_60 = arith.constant 0 : i32
      %dma_start3A_61 = tpu.memref_slice %arg11[%add3A_5, %dma_start3A_60] : memref<10240x128xf32, #tpu.memory_space<vmem_shared>> -> memref<80x128xf32, #tpu.memory_space<vmem_shared>>
      tpu.enqueue_dma source(%arg8 : memref<80x128xf32, #tpu.memory_space<vmem>>) target(%dma_start3A_61 : memref<80x128xf32, #tpu.memory_space<vmem_shared>>) target_semaphore(%run_scoped3A : memref<!tpu.dma_semaphore, #tpu.memory_space<semaphore_mem>>)
      %dma_wait3A = arith.constant 0 : i32
      %dma_wait3A_62 = tpu.memref_slice %arg11[%add3A_5, %dma_wait3A] : memref<10240x128xf32, #tpu.memory_space<vmem_shared>> -> memref<80x128xf32, #tpu.memory_space<vmem_shared>>
      %dma_wait3A_63 = arith.constant 0 : i32
      %dma_wait3A_64 = tpu.memref_slice %arg11[%add3A_5, %dma_wait3A_63] : memref<10240x128xf32, #tpu.memory_space<vmem_shared>> -> memref<80x128xf32, #tpu.memory_space<vmem_shared>>
      tpu.wait_dma2 semaphore(%run_scoped3A : memref<!tpu.dma_semaphore, #tpu.memory_space<semaphore_mem>>) src(%arg8 : memref<80x128xf32, #tpu.memory_space<vmem>>) dst(%dma_wait3A_64 : memref<80x128xf32, #tpu.memory_space<vmem_shared>>)
      tpu.yield
    }) : () -> ()
    %add3A_6 = arith.constant 240 : i32
    %add3A_7 = arith.addi %mul3A_0, %add3A_6 : i32
    "tpu.region"() ({
      %run_scoped3A = tpu.sem_alloc : memref<!tpu.dma_semaphore, #tpu.memory_space<semaphore_mem>>
      %dma_start3A = arith.constant 0 : i32
      %dma_start3A_59 = tpu.memref_slice %arg11[%add3A_7, %dma_start3A] : memref<10240x128xf32, #tpu.memory_space<vmem_shared>> -> memref<80x128xf32, #tpu.memory_space<vmem_shared>>
      %dma_start3A_60 = arith.constant 0 : i32
      %dma_start3A_61 = tpu.memref_slice %arg11[%add3A_7, %dma_start3A_60] : memref<10240x128xf32, #tpu.memory_space<vmem_shared>> -> memref<80x128xf32, #tpu.memory_space<vmem_shared>>
      tpu.enqueue_dma source(%arg8 : memref<80x128xf32, #tpu.memory_space<vmem>>) target(%dma_start3A_61 : memref<80x128xf32, #tpu.memory_space<vmem_shared>>) target_semaphore(%run_scoped3A : memref<!tpu.dma_semaphore, #tpu.memory_space<semaphore_mem>>)
      %dma_wait3A = arith.constant 0 : i32
      %dma_wait3A_62 = tpu.memref_slice %arg11[%add3A_7, %dma_wait3A] : memref<10240x128xf32, #tpu.memory_space<vmem_shared>> -> memref<80x128xf32, #tpu.memory_space<vmem_shared>>
      %dma_wait3A_63 = arith.constant 0 : i32
      %dma_wait3A_64 = tpu.memref_slice %arg11[%add3A_7, %dma_wait3A_63] : memref<10240x128xf32, #tpu.memory_space<vmem_shared>> -> memref<80x128xf32, #tpu.memory_space<vmem_shared>>
      tpu.wait_dma2 semaphore(%run_scoped3A : memref<!tpu.dma_semaphore, #tpu.memory_space<semaphore_mem>>) src(%arg8 : memref<80x128xf32, #tpu.memory_space<vmem>>) dst(%dma_wait3A_64 : memref<80x128xf32, #tpu.memory_space<vmem_shared>>)
      tpu.yield
    }) : () -> ()
    %add3A_8 = arith.constant 320 : i32
    %add3A_9 = arith.addi %mul3A_0, %add3A_8 : i32
    "tpu.region"() ({
      %run_scoped3A = tpu.sem_alloc : memref<!tpu.dma_semaphore, #tpu.memory_space<semaphore_mem>>
      %dma_start3A = arith.constant 0 : i32
      %dma_start3A_59 = tpu.memref_slice %arg11[%add3A_9, %dma_start3A] : memref<10240x128xf32, #tpu.memory_space<vmem_shared>> -> memref<80x128xf32, #tpu.memory_space<vmem_shared>>
      %dma_start3A_60 = arith.constant 0 : i32
      %dma_start3A_61 = tpu.memref_slice %arg11[%add3A_9, %dma_start3A_60] : memref<10240x128xf32, #tpu.memory_space<vmem_shared>> -> memref<80x128xf32, #tpu.memory_space<vmem_shared>>
      tpu.enqueue_dma source(%arg8 : memref<80x128xf32, #tpu.memory_space<vmem>>) target(%dma_start3A_61 : memref<80x128xf32, #tpu.memory_space<vmem_shared>>) target_semaphore(%run_scoped3A : memref<!tpu.dma_semaphore, #tpu.memory_space<semaphore_mem>>)
      %dma_wait3A = arith.constant 0 : i32
      %dma_wait3A_62 = tpu.memref_slice %arg11[%add3A_9, %dma_wait3A] : memref<10240x128xf32, #tpu.memory_space<vmem_shared>> -> memref<80x128xf32, #tpu.memory_space<vmem_shared>>
      %dma_wait3A_63 = arith.constant 0 : i32
      %dma_wait3A_64 = tpu.memref_slice %arg11[%add3A_9, %dma_wait3A_63] : memref<10240x128xf32, #tpu.memory_space<vmem_shared>> -> memref<80x128xf32, #tpu.memory_space<vmem_shared>>
      tpu.wait_dma2 semaphore(%run_scoped3A : memref<!tpu.dma_semaphore, #tpu.memory_space<semaphore_mem>>) src(%arg8 : memref<80x128xf32, #tpu.memory_space<vmem>>) dst(%dma_wait3A_64 : memref<80x128xf32, #tpu.memory_space<vmem_shared>>)
      tpu.yield
    }) : () -> ()
    %add3A_10 = arith.constant 400 : i32
    %add3A_11 = arith.addi %mul3A_0, %add3A_10 : i32
    "tpu.region"() ({
      %run_scoped3A = tpu.sem_alloc : memref<!tpu.dma_semaphore, #tpu.memory_space<semaphore_mem>>
      %dma_start3A = arith.constant 0 : i32
      %dma_start3A_59 = tpu.memref_slice %arg11[%add3A_11, %dma_start3A] : memref<10240x128xf32, #tpu.memory_space<vmem_shared>> -> memref<80x128xf32, #tpu.memory_space<vmem_shared>>
      %dma_start3A_60 = arith.constant 0 : i32
      %dma_start3A_61 = tpu.memref_slice %arg11[%add3A_11, %dma_start3A_60] : memref<10240x128xf32, #tpu.memory_space<vmem_shared>> -> memref<80x128xf32, #tpu.memory_space<vmem_shared>>
      tpu.enqueue_dma source(%arg8 : memref<80x128xf32, #tpu.memory_space<vmem>>) target(%dma_start3A_61 : memref<80x128xf32, #tpu.memory_space<vmem_shared>>) target_semaphore(%run_scoped3A : memref<!tpu.dma_semaphore, #tpu.memory_space<semaphore_mem>>)
      %dma_wait3A = arith.constant 0 : i32
      %dma_wait3A_62 = tpu.memref_slice %arg11[%add3A_11, %dma_wait3A] : memref<10240x128xf32, #tpu.memory_space<vmem_shared>> -> memref<80x128xf32, #tpu.memory_space<vmem_shared>>
      %dma_wait3A_63 = arith.constant 0 : i32
      %dma_wait3A_64 = tpu.memref_slice %arg11[%add3A_11, %dma_wait3A_63] : memref<10240x128xf32, #tpu.memory_space<vmem_shared>> -> memref<80x128xf32, #tpu.memory_space<vmem_shared>>
      tpu.wait_dma2 semaphore(%run_scoped3A : memref<!tpu.dma_semaphore, #tpu.memory_space<semaphore_mem>>) src(%arg8 : memref<80x128xf32, #tpu.memory_space<vmem>>) dst(%dma_wait3A_64 : memref<80x128xf32, #tpu.memory_space<vmem_shared>>)
      tpu.yield
    }) : () -> ()
    %add3A_12 = arith.constant 480 : i32
    %add3A_13 = arith.addi %mul3A_0, %add3A_12 : i32
    "tpu.region"() ({
      %run_scoped3A = tpu.sem_alloc : memref<!tpu.dma_semaphore, #tpu.memory_space<semaphore_mem>>
      %dma_start3A = arith.constant 0 : i32
      %dma_start3A_59 = tpu.memref_slice %arg11[%add3A_13, %dma_start3A] : memref<10240x128xf32, #tpu.memory_space<vmem_shared>> -> memref<80x128xf32, #tpu.memory_space<vmem_shared>>
      %dma_start3A_60 = arith.constant 0 : i32
      %dma_start3A_61 = tpu.memref_slice %arg11[%add3A_13, %dma_start3A_60] : memref<10240x128xf32, #tpu.memory_space<vmem_shared>> -> memref<80x128xf32, #tpu.memory_space<vmem_shared>>
      tpu.enqueue_dma source(%arg8 : memref<80x128xf32, #tpu.memory_space<vmem>>) target(%dma_start3A_61 : memref<80x128xf32, #tpu.memory_space<vmem_shared>>) target_semaphore(%run_scoped3A : memref<!tpu.dma_semaphore, #tpu.memory_space<semaphore_mem>>)
      %dma_wait3A = arith.constant 0 : i32
      %dma_wait3A_62 = tpu.memref_slice %arg11[%add3A_13, %dma_wait3A] : memref<10240x128xf32, #tpu.memory_space<vmem_shared>> -> memref<80x128xf32, #tpu.memory_space<vmem_shared>>
      %dma_wait3A_63 = arith.constant 0 : i32
      %dma_wait3A_64 = tpu.memref_slice %arg11[%add3A_13, %dma_wait3A_63] : memref<10240x128xf32, #tpu.memory_space<vmem_shared>> -> memref<80x128xf32, #tpu.memory_space<vmem_shared>>
      tpu.wait_dma2 semaphore(%run_scoped3A : memref<!tpu.dma_semaphore, #tpu.memory_space<semaphore_mem>>) src(%arg8 : memref<80x128xf32, #tpu.memory_space<vmem>>) dst(%dma_wait3A_64 : memref<80x128xf32, #tpu.memory_space<vmem_shared>>)
      tpu.yield
    }) : () -> ()
    %add3A_14 = arith.constant 560 : i32
    %add3A_15 = arith.addi %mul3A_0, %add3A_14 : i32
    "tpu.region"() ({
      %run_scoped3A = tpu.sem_alloc : memref<!tpu.dma_semaphore, #tpu.memory_space<semaphore_mem>>
      %dma_start3A = arith.constant 0 : i32
      %dma_start3A_59 = tpu.memref_slice %arg11[%add3A_15, %dma_start3A] : memref<10240x128xf32, #tpu.memory_space<vmem_shared>> -> memref<80x128xf32, #tpu.memory_space<vmem_shared>>
      %dma_start3A_60 = arith.constant 0 : i32
      %dma_start3A_61 = tpu.memref_slice %arg11[%add3A_15, %dma_start3A_60] : memref<10240x128xf32, #tpu.memory_space<vmem_shared>> -> memref<80x128xf32, #tpu.memory_space<vmem_shared>>
      tpu.enqueue_dma source(%arg8 : memref<80x128xf32, #tpu.memory_space<vmem>>) target(%dma_start3A_61 : memref<80x128xf32, #tpu.memory_space<vmem_shared>>) target_semaphore(%run_scoped3A : memref<!tpu.dma_semaphore, #tpu.memory_space<semaphore_mem>>)
      %dma_wait3A = arith.constant 0 : i32
      %dma_wait3A_62 = tpu.memref_slice %arg11[%add3A_15, %dma_wait3A] : memref<10240x128xf32, #tpu.memory_space<vmem_shared>> -> memref<80x128xf32, #tpu.memory_space<vmem_shared>>
      %dma_wait3A_63 = arith.constant 0 : i32
      %dma_wait3A_64 = tpu.memref_slice %arg11[%add3A_15, %dma_wait3A_63] : memref<10240x128xf32, #tpu.memory_space<vmem_shared>> -> memref<80x128xf32, #tpu.memory_space<vmem_shared>>
      tpu.wait_dma2 semaphore(%run_scoped3A : memref<!tpu.dma_semaphore, #tpu.memory_space<semaphore_mem>>) src(%arg8 : memref<80x128xf32, #tpu.memory_space<vmem>>) dst(%dma_wait3A_64 : memref<80x128xf32, #tpu.memory_space<vmem_shared>>)
      tpu.yield
    }) : () -> ()
    %barrier3A = arith.constant 0 : index
    tpu.barrier barrier_id(%barrier3A)
    %mul3A_16 = arith.constant 16 : i32
    %mul3A_17 = arith.muli %arg0, %mul3A_16 : i32
    %add3A_18 = arith.addi %mul3A_17, %arg1 : i32
    %mul3A_19 = arith.constant 45 : i32
    %mul3A_20 = arith.muli %add3A_18, %mul3A_19 : i32
    %scan3A = arith.constant 0 : i32
    %scan3A_21 = arith.constant 0 : i32
    %scan3A_22 = arith.constant 45 : i32
    %scan3A_23 = arith.addi %scan3A_21, %scan3A_22 : i32
    %scan3A_24 = arith.constant 1 : i32
    scf.for %scan3A_59 = %scan3A_21 to %scan3A_23 step %scan3A_24  : i32 {
      %add3A_60 = arith.addi %mul3A_20, %scan3A_59 : i32
      "tpu.region"() ({
        %run_scoped3A_110 = tpu.sem_alloc : memref<!tpu.dma_semaphore, #tpu.memory_space<semaphore_mem>>
        %dma_start3A_111 = arith.constant 0 : i32
        %dma_start3A_112 = arith.constant 0 : i32
        %dma_start3A_113 = tpu.memref_slice %arg3[%add3A_60, %dma_start3A_111, %dma_start3A_112] : memref<1440x4x112xi32, #tpu.memory_space<hbm>> -> memref<1x4x112xi32, #tpu.memory_space<hbm>>
        %dma_start3A_114 = tpu.memref_squeeze %dma_start3A_113 : memref<1x4x112xi32, #tpu.memory_space<hbm>> -> memref<4x112xi32, #tpu.memory_space<hbm>>
        %dma_start3A_115 = arith.constant 0 : i32
        %dma_start3A_116 = arith.constant 0 : i32
        %dma_start3A_117 = tpu.memref_slice %arg3[%add3A_60, %dma_start3A_115, %dma_start3A_116] : memref<1440x4x112xi32, #tpu.memory_space<hbm>> -> memref<1x4x112xi32, #tpu.memory_space<hbm>>
        %dma_start3A_118 = tpu.memref_squeeze %dma_start3A_117 : memref<1x4x112xi32, #tpu.memory_space<hbm>> -> memref<4x112xi32, #tpu.memory_space<hbm>>
        tpu.enqueue_dma source(%dma_start3A_118 : memref<4x112xi32, #tpu.memory_space<hbm>>) target(%arg6 : memref<4x112xi32, #tpu.memory_space<vmem>>) target_semaphore(%run_scoped3A_110 : memref<!tpu.dma_semaphore, #tpu.memory_space<semaphore_mem>>)
        %dma_wait3A_119 = arith.constant 0 : i32
        %dma_wait3A_120 = arith.constant 0 : i32
        %dma_wait3A_121 = tpu.memref_slice %arg3[%add3A_60, %dma_wait3A_119, %dma_wait3A_120] : memref<1440x4x112xi32, #tpu.memory_space<hbm>> -> memref<1x4x112xi32, #tpu.memory_space<hbm>>
        %dma_wait3A_122 = tpu.memref_squeeze %dma_wait3A_121 : memref<1x4x112xi32, #tpu.memory_space<hbm>> -> memref<4x112xi32, #tpu.memory_space<hbm>>
        %dma_wait3A_123 = arith.constant 0 : i32
        %dma_wait3A_124 = arith.constant 0 : i32
        %dma_wait3A_125 = tpu.memref_slice %arg3[%add3A_60, %dma_wait3A_123, %dma_wait3A_124] : memref<1440x4x112xi32, #tpu.memory_space<hbm>> -> memref<1x4x112xi32, #tpu.memory_space<hbm>>
        %dma_wait3A_126 = tpu.memref_squeeze %dma_wait3A_125 : memref<1x4x112xi32, #tpu.memory_space<hbm>> -> memref<4x112xi32, #tpu.memory_space<hbm>>
        tpu.wait_dma2 semaphore(%run_scoped3A_110 : memref<!tpu.dma_semaphore, #tpu.memory_space<semaphore_mem>>) src(%dma_wait3A_126 : memref<4x112xi32, #tpu.memory_space<hbm>>) dst(%arg6 : memref<4x112xi32, #tpu.memory_space<vmem>>)
        tpu.yield
      }) : () -> ()
      %dma_start3A = arith.constant 0 : i32
      %dma_start3A_61 = arith.constant 0 : i32
      %dma_start3A_62 = arith.constant 0 : i32
      %dma_start3A_63 = arith.constant 0 : i32
      %dma_start3A_64 = tpu.memref_slice %arg7[%dma_start3A_61, %dma_start3A_62, %dma_start3A_63] : memref<2x112x128xf32, #tpu.memory_space<vmem>> -> memref<1x112x128xf32, #tpu.memory_space<vmem>>
      %dma_start3A_65 = tpu.memref_squeeze %dma_start3A_64 : memref<1x112x128xf32, #tpu.memory_space<vmem>> -> memref<112x128xf32, #tpu.memory_space<vmem>>
      %dma_start3A_66 = arith.constant 0 : i32
      %dma_start3A_67 = tpu.memref_slice %arg6[%dma_start3A, %dma_start3A_66] : memref<4x112xi32, #tpu.memory_space<vmem>> -> memref<1x112xi32, #tpu.memory_space<vmem>>
      %dma_start3A_68 = tpu.memref_squeeze %dma_start3A_67 : memref<1x112xi32, #tpu.memory_space<vmem>> -> memref<112xi32, #tpu.memory_space<vmem>>
      %dma_start3A_69 = arith.constant 0 : i32
      %dma_start3A_70 = arith.constant 0 : i32
      %dma_start3A_71 = tpu.memref_slice %arg2[%dma_start3A_69, %dma_start3A_70] : memref<10240x128xf32, #tpu.memory_space<hbm>> -> memref<10240x128xf32, #tpu.memory_space<hbm>>
      tpu.enqueue_indirect_dma source(%dma_start3A_71 : memref<10240x128xf32, #tpu.memory_space<hbm>>) target(%dma_start3A_65 : memref<112x128xf32, #tpu.memory_space<vmem>>) offsets(%dma_start3A_68 : memref<112xi32, #tpu.memory_space<vmem>>) semaphore(%arg9 : memref<!tpu.dma_semaphore, #tpu.memory_space<semaphore_mem>>)
      %dma_start3A_72 = arith.constant 1 : i32
      %dma_start3A_73 = arith.constant 1 : i32
      %dma_start3A_74 = arith.constant 0 : i32
      %dma_start3A_75 = arith.constant 0 : i32
      %dma_start3A_76 = tpu.memref_slice %arg7[%dma_start3A_73, %dma_start3A_74, %dma_start3A_75] : memref<2x112x128xf32, #tpu.memory_space<vmem>> -> memref<1x112x128xf32, #tpu.memory_space<vmem>>
      %dma_start3A_77 = tpu.memref_squeeze %dma_start3A_76 : memref<1x112x128xf32, #tpu.memory_space<vmem>> -> memref<112x128xf32, #tpu.memory_space<vmem>>
      %dma_start3A_78 = arith.constant 0 : i32
      %dma_start3A_79 = tpu.memref_slice %arg6[%dma_start3A_72, %dma_start3A_78] : memref<4x112xi32, #tpu.memory_space<vmem>> -> memref<1x112xi32, #tpu.memory_space<vmem>>
      %dma_start3A_80 = tpu.memref_squeeze %dma_start3A_79 : memref<1x112xi32, #tpu.memory_space<vmem>> -> memref<112xi32, #tpu.memory_space<vmem>>
      %dma_start3A_81 = arith.constant 0 : i32
      %dma_start3A_82 = arith.constant 0 : i32
      %dma_start3A_83 = tpu.memref_slice %arg2[%dma_start3A_81, %dma_start3A_82] : memref<10240x128xf32, #tpu.memory_space<hbm>> -> memref<10240x128xf32, #tpu.memory_space<hbm>>
      tpu.enqueue_indirect_dma source(%dma_start3A_83 : memref<10240x128xf32, #tpu.memory_space<hbm>>) target(%dma_start3A_77 : memref<112x128xf32, #tpu.memory_space<vmem>>) offsets(%dma_start3A_80 : memref<112xi32, #tpu.memory_space<vmem>>) semaphore(%arg10 : memref<!tpu.dma_semaphore, #tpu.memory_space<semaphore_mem>>)
      %dma_wait3A = arith.constant 0 : i32
      %dma_wait3A_84 = arith.constant 0 : i32
      %dma_wait3A_85 = arith.constant 0 : i32
      %dma_wait3A_86 = arith.constant 0 : i32
      %dma_wait3A_87 = tpu.memref_slice %arg7[%dma_wait3A_84, %dma_wait3A_85, %dma_wait3A_86] : memref<2x112x128xf32, #tpu.memory_space<vmem>> -> memref<1x112x128xf32, #tpu.memory_space<vmem>>
      %dma_wait3A_88 = tpu.memref_squeeze %dma_wait3A_87 : memref<1x112x128xf32, #tpu.memory_space<vmem>> -> memref<112x128xf32, #tpu.memory_space<vmem>>
      %dma_wait3A_89 = arith.constant 0 : i32
      %dma_wait3A_90 = tpu.memref_slice %arg6[%dma_wait3A, %dma_wait3A_89] : memref<4x112xi32, #tpu.memory_space<vmem>> -> memref<1x112xi32, #tpu.memory_space<vmem>>
      %dma_wait3A_91 = tpu.memref_squeeze %dma_wait3A_90 : memref<1x112xi32, #tpu.memory_space<vmem>> -> memref<112xi32, #tpu.memory_space<vmem>>
      %dma_wait3A_92 = arith.constant 0 : i32
      %dma_wait3A_93 = arith.constant 0 : i32
      %dma_wait3A_94 = tpu.memref_slice %arg2[%dma_wait3A_92, %dma_wait3A_93] : memref<10240x128xf32, #tpu.memory_space<hbm>> -> memref<10240x128xf32, #tpu.memory_space<hbm>>
      tpu.wait_indirect_dma semaphore(%arg9 : memref<!tpu.dma_semaphore, #tpu.memory_space<semaphore_mem>>) src(%dma_wait3A_94 : memref<10240x128xf32, #tpu.memory_space<hbm>>) dst(%dma_wait3A_88 : memref<112x128xf32, #tpu.memory_space<vmem>>)
      %run_scoped3A = arith.constant 0 : i32
      %run_scoped3A_95 = arith.constant 2 : i32
      "tpu.region"() ({
        %run_scoped3A_110 = tpu.sem_alloc : memref<!tpu.dma_semaphore, #tpu.memory_space<semaphore_mem>>
        %dma_start3A_111 = arith.constant 0 : i32
        %dma_start3A_112 = arith.constant 0 : i32
        %dma_start3A_113 = tpu.memref_slice %arg7[%run_scoped3A, %dma_start3A_111, %dma_start3A_112] : memref<2x112x128xf32, #tpu.memory_space<vmem>> -> memref<1x112x128xf32, #tpu.memory_space<vmem>>
        %dma_start3A_114 = tpu.memref_squeeze %dma_start3A_113 : memref<1x112x128xf32, #tpu.memory_space<vmem>> -> memref<112x128xf32, #tpu.memory_space<vmem>>
        %dma_start3A_115 = arith.constant 0 : i32
        %dma_start3A_116 = tpu.memref_slice %arg6[%run_scoped3A_95, %dma_start3A_115] : memref<4x112xi32, #tpu.memory_space<vmem>> -> memref<1x112xi32, #tpu.memory_space<vmem>>
        %dma_start3A_117 = tpu.memref_squeeze %dma_start3A_116 : memref<1x112xi32, #tpu.memory_space<vmem>> -> memref<112xi32, #tpu.memory_space<vmem>>
        %dma_start3A_118 = arith.constant 0 : i32
        %dma_start3A_119 = arith.constant 0 : i32
        %dma_start3A_120 = tpu.memref_slice %arg11[%dma_start3A_118, %dma_start3A_119] : memref<10240x128xf32, #tpu.memory_space<vmem_shared>> -> memref<10240x128xf32, #tpu.memory_space<vmem_shared>>
        tpu.enqueue_indirect_dma source(%dma_start3A_114 : memref<112x128xf32, #tpu.memory_space<vmem>>) target(%dma_start3A_120 : memref<10240x128xf32, #tpu.memory_space<vmem_shared>>) offsets(%dma_start3A_117 : memref<112xi32, #tpu.memory_space<vmem>>) semaphore(%run_scoped3A_110 : memref<!tpu.dma_semaphore, #tpu.memory_space<semaphore_mem>>) {add = true}
        %dma_wait3A_121 = arith.constant 0 : i32
        %dma_wait3A_122 = arith.constant 0 : i32
        %dma_wait3A_123 = tpu.memref_slice %arg7[%run_scoped3A, %dma_wait3A_121, %dma_wait3A_122] : memref<2x112x128xf32, #tpu.memory_space<vmem>> -> memref<1x112x128xf32, #tpu.memory_space<vmem>>
        %dma_wait3A_124 = tpu.memref_squeeze %dma_wait3A_123 : memref<1x112x128xf32, #tpu.memory_space<vmem>> -> memref<112x128xf32, #tpu.memory_space<vmem>>
        %dma_wait3A_125 = arith.constant 0 : i32
        %dma_wait3A_126 = tpu.memref_slice %arg6[%run_scoped3A_95, %dma_wait3A_125] : memref<4x112xi32, #tpu.memory_space<vmem>> -> memref<1x112xi32, #tpu.memory_space<vmem>>
        %dma_wait3A_127 = tpu.memref_squeeze %dma_wait3A_126 : memref<1x112xi32, #tpu.memory_space<vmem>> -> memref<112xi32, #tpu.memory_space<vmem>>
        %dma_wait3A_128 = arith.constant 0 : i32
        %dma_wait3A_129 = arith.constant 0 : i32
        %dma_wait3A_130 = tpu.memref_slice %arg11[%dma_wait3A_128, %dma_wait3A_129] : memref<10240x128xf32, #tpu.memory_space<vmem_shared>> -> memref<10240x128xf32, #tpu.memory_space<vmem_shared>>
        tpu.wait_indirect_dma semaphore(%run_scoped3A_110 : memref<!tpu.dma_semaphore, #tpu.memory_space<semaphore_mem>>) src(%dma_wait3A_124 : memref<112x128xf32, #tpu.memory_space<vmem>>) dst(%dma_wait3A_130 : memref<10240x128xf32, #tpu.memory_space<vmem_shared>>)
        tpu.yield
      }) : () -> ()
      %dma_wait3A_96 = arith.constant 1 : i32
      %dma_wait3A_97 = arith.constant 1 : i32
      %dma_wait3A_98 = arith.constant 0 : i32
      %dma_wait3A_99 = arith.constant 0 : i32
      %dma_wait3A_100 = tpu.memref_slice %arg7[%dma_wait3A_97, %dma_wait3A_98, %dma_wait3A_99] : memref<2x112x128xf32, #tpu.memory_space<vmem>> -> memref<1x112x128xf32, #tpu.memory_space<vmem>>
      %dma_wait3A_101 = tpu.memref_squeeze %dma_wait3A_100 : memref<1x112x128xf32, #tpu.memory_space<vmem>> -> memref<112x128xf32, #tpu.memory_space<vmem>>
      %dma_wait3A_102 = arith.constant 0 : i32
      %dma_wait3A_103 = tpu.memref_slice %arg6[%dma_wait3A_96, %dma_wait3A_102] : memref<4x112xi32, #tpu.memory_space<vmem>> -> memref<1x112xi32, #tpu.memory_space<vmem>>
      %dma_wait3A_104 = tpu.memref_squeeze %dma_wait3A_103 : memref<1x112xi32, #tpu.memory_space<vmem>> -> memref<112xi32, #tpu.memory_space<vmem>>
      %dma_wait3A_105 = arith.constant 0 : i32
      %dma_wait3A_106 = arith.constant 0 : i32
      %dma_wait3A_107 = tpu.memref_slice %arg2[%dma_wait3A_105, %dma_wait3A_106] : memref<10240x128xf32, #tpu.memory_space<hbm>> -> memref<10240x128xf32, #tpu.memory_space<hbm>>
      tpu.wait_indirect_dma semaphore(%arg10 : memref<!tpu.dma_semaphore, #tpu.memory_space<semaphore_mem>>) src(%dma_wait3A_107 : memref<10240x128xf32, #tpu.memory_space<hbm>>) dst(%dma_wait3A_101 : memref<112x128xf32, #tpu.memory_space<vmem>>)
      %run_scoped3A_108 = arith.constant 1 : i32
      %run_scoped3A_109 = arith.constant 3 : i32
      "tpu.region"() ({
        %run_scoped3A_110 = tpu.sem_alloc : memref<!tpu.dma_semaphore, #tpu.memory_space<semaphore_mem>>
        %dma_start3A_111 = arith.constant 0 : i32
        %dma_start3A_112 = arith.constant 0 : i32
        %dma_start3A_113 = tpu.memref_slice %arg7[%run_scoped3A_108, %dma_start3A_111, %dma_start3A_112] : memref<2x112x128xf32, #tpu.memory_space<vmem>> -> memref<1x112x128xf32, #tpu.memory_space<vmem>>
        %dma_start3A_114 = tpu.memref_squeeze %dma_start3A_113 : memref<1x112x128xf32, #tpu.memory_space<vmem>> -> memref<112x128xf32, #tpu.memory_space<vmem>>
        %dma_start3A_115 = arith.constant 0 : i32
        %dma_start3A_116 = tpu.memref_slice %arg6[%run_scoped3A_109, %dma_start3A_115] : memref<4x112xi32, #tpu.memory_space<vmem>> -> memref<1x112xi32, #tpu.memory_space<vmem>>
        %dma_start3A_117 = tpu.memref_squeeze %dma_start3A_116 : memref<1x112xi32, #tpu.memory_space<vmem>> -> memref<112xi32, #tpu.memory_space<vmem>>
        %dma_start3A_118 = arith.constant 0 : i32
        %dma_start3A_119 = arith.constant 0 : i32
        %dma_start3A_120 = tpu.memref_slice %arg11[%dma_start3A_118, %dma_start3A_119] : memref<10240x128xf32, #tpu.memory_space<vmem_shared>> -> memref<10240x128xf32, #tpu.memory_space<vmem_shared>>
        tpu.enqueue_indirect_dma source(%dma_start3A_114 : memref<112x128xf32, #tpu.memory_space<vmem>>) target(%dma_start3A_120 : memref<10240x128xf32, #tpu.memory_space<vmem_shared>>) offsets(%dma_start3A_117 : memref<112xi32, #tpu.memory_space<vmem>>) semaphore(%run_scoped3A_110 : memref<!tpu.dma_semaphore, #tpu.memory_space<semaphore_mem>>) {add = true}
        %dma_wait3A_121 = arith.constant 0 : i32
        %dma_wait3A_122 = arith.constant 0 : i32
        %dma_wait3A_123 = tpu.memref_slice %arg7[%run_scoped3A_108, %dma_wait3A_121, %dma_wait3A_122] : memref<2x112x128xf32, #tpu.memory_space<vmem>> -> memref<1x112x128xf32, #tpu.memory_space<vmem>>
        %dma_wait3A_124 = tpu.memref_squeeze %dma_wait3A_123 : memref<1x112x128xf32, #tpu.memory_space<vmem>> -> memref<112x128xf32, #tpu.memory_space<vmem>>
        %dma_wait3A_125 = arith.constant 0 : i32
        %dma_wait3A_126 = tpu.memref_slice %arg6[%run_scoped3A_109, %dma_wait3A_125] : memref<4x112xi32, #tpu.memory_space<vmem>> -> memref<1x112xi32, #tpu.memory_space<vmem>>
        %dma_wait3A_127 = tpu.memref_squeeze %dma_wait3A_126 : memref<1x112xi32, #tpu.memory_space<vmem>> -> memref<112xi32, #tpu.memory_space<vmem>>
        %dma_wait3A_128 = arith.constant 0 : i32
        %dma_wait3A_129 = arith.constant 0 : i32
        %dma_wait3A_130 = tpu.memref_slice %arg11[%dma_wait3A_128, %dma_wait3A_129] : memref<10240x128xf32, #tpu.memory_space<vmem_shared>> -> memref<10240x128xf32, #tpu.memory_space<vmem_shared>>
        tpu.wait_indirect_dma semaphore(%run_scoped3A_110 : memref<!tpu.dma_semaphore, #tpu.memory_space<semaphore_mem>>) src(%dma_wait3A_124 : memref<112x128xf32, #tpu.memory_space<vmem>>) dst(%dma_wait3A_130 : memref<10240x128xf32, #tpu.memory_space<vmem_shared>>)
        tpu.yield
      }) : () -> ()
    }
    %scan3A_25 = arith.constant 45 : i32
    %barrier3A_26 = arith.constant 0 : index
    tpu.barrier barrier_id(%barrier3A_26)
    %add3A_27 = arith.constant 0 : i32
    %add3A_28 = arith.addi %mul3A_0, %add3A_27 : i32
    "tpu.region"() ({
      %run_scoped3A = tpu.sem_alloc : memref<!tpu.dma_semaphore, #tpu.memory_space<semaphore_mem>>
      %dma_start3A = arith.constant 0 : i32
      %dma_start3A_59 = tpu.memref_slice %arg11[%add3A_28, %dma_start3A] : memref<10240x128xf32, #tpu.memory_space<vmem_shared>> -> memref<80x128xf32, #tpu.memory_space<vmem_shared>>
      %dma_start3A_60 = arith.constant 0 : i32
      %dma_start3A_61 = tpu.memref_slice %arg11[%add3A_28, %dma_start3A_60] : memref<10240x128xf32, #tpu.memory_space<vmem_shared>> -> memref<80x128xf32, #tpu.memory_space<vmem_shared>>
      tpu.enqueue_dma source(%dma_start3A_61 : memref<80x128xf32, #tpu.memory_space<vmem_shared>>) target(%arg8 : memref<80x128xf32, #tpu.memory_space<vmem>>) target_semaphore(%run_scoped3A : memref<!tpu.dma_semaphore, #tpu.memory_space<semaphore_mem>>)
      %dma_wait3A = arith.constant 0 : i32
      %dma_wait3A_62 = tpu.memref_slice %arg11[%add3A_28, %dma_wait3A] : memref<10240x128xf32, #tpu.memory_space<vmem_shared>> -> memref<80x128xf32, #tpu.memory_space<vmem_shared>>
      %dma_wait3A_63 = arith.constant 0 : i32
      %dma_wait3A_64 = tpu.memref_slice %arg11[%add3A_28, %dma_wait3A_63] : memref<10240x128xf32, #tpu.memory_space<vmem_shared>> -> memref<80x128xf32, #tpu.memory_space<vmem_shared>>
      tpu.wait_dma2 semaphore(%run_scoped3A : memref<!tpu.dma_semaphore, #tpu.memory_space<semaphore_mem>>) src(%dma_wait3A_64 : memref<80x128xf32, #tpu.memory_space<vmem_shared>>) dst(%arg8 : memref<80x128xf32, #tpu.memory_space<vmem>>)
      tpu.yield
    }) : () -> ()
    %add3A_29 = arith.constant 0 : i32
    %add3A_30 = arith.addi %mul3A_0, %add3A_29 : i32
    "tpu.region"() ({
      %run_scoped3A = tpu.sem_alloc : memref<!tpu.dma_semaphore, #tpu.memory_space<semaphore_mem>>
      %dma_start3A = arith.constant 0 : i32
      %dma_start3A_59 = tpu.memref_slice %arg5[%arg0, %add3A_30, %dma_start3A] : memref<2x10240x128xf32, #tpu.memory_space<hbm>> -> memref<1x80x128xf32, #tpu.memory_space<hbm>>
      %dma_start3A_60 = tpu.memref_squeeze %dma_start3A_59 : memref<1x80x128xf32, #tpu.memory_space<hbm>> -> memref<80x128xf32, #tpu.memory_space<hbm>>
      %dma_start3A_61 = arith.constant 0 : i32
      %dma_start3A_62 = tpu.memref_slice %arg5[%arg0, %add3A_30, %dma_start3A_61] : memref<2x10240x128xf32, #tpu.memory_space<hbm>> -> memref<1x80x128xf32, #tpu.memory_space<hbm>>
      %dma_start3A_63 = tpu.memref_squeeze %dma_start3A_62 : memref<1x80x128xf32, #tpu.memory_space<hbm>> -> memref<80x128xf32, #tpu.memory_space<hbm>>
      tpu.enqueue_dma source(%arg8 : memref<80x128xf32, #tpu.memory_space<vmem>>) target(%dma_start3A_63 : memref<80x128xf32, #tpu.memory_space<hbm>>) target_semaphore(%run_scoped3A : memref<!tpu.dma_semaphore, #tpu.memory_space<semaphore_mem>>)
      %dma_wait3A = arith.constant 0 : i32
      %dma_wait3A_64 = tpu.memref_slice %arg5[%arg0, %add3A_30, %dma_wait3A] : memref<2x10240x128xf32, #tpu.memory_space<hbm>> -> memref<1x80x128xf32, #tpu.memory_space<hbm>>
      %dma_wait3A_65 = tpu.memref_squeeze %dma_wait3A_64 : memref<1x80x128xf32, #tpu.memory_space<hbm>> -> memref<80x128xf32, #tpu.memory_space<hbm>>
      %dma_wait3A_66 = arith.constant 0 : i32
      %dma_wait3A_67 = tpu.memref_slice %arg5[%arg0, %add3A_30, %dma_wait3A_66] : memref<2x10240x128xf32, #tpu.memory_space<hbm>> -> memref<1x80x128xf32, #tpu.memory_space<hbm>>
      %dma_wait3A_68 = tpu.memref_squeeze %dma_wait3A_67 : memref<1x80x128xf32, #tpu.memory_space<hbm>> -> memref<80x128xf32, #tpu.memory_space<hbm>>
      tpu.wait_dma2 semaphore(%run_scoped3A : memref<!tpu.dma_semaphore, #tpu.memory_space<semaphore_mem>>) src(%arg8 : memref<80x128xf32, #tpu.memory_space<vmem>>) dst(%dma_wait3A_68 : memref<80x128xf32, #tpu.memory_space<hbm>>)
      tpu.yield
    }) : () -> ()
    %add3A_31 = arith.constant 80 : i32
    %add3A_32 = arith.addi %mul3A_0, %add3A_31 : i32
    "tpu.region"() ({
      %run_scoped3A = tpu.sem_alloc : memref<!tpu.dma_semaphore, #tpu.memory_space<semaphore_mem>>
      %dma_start3A = arith.constant 0 : i32
      %dma_start3A_59 = tpu.memref_slice %arg11[%add3A_32, %dma_start3A] : memref<10240x128xf32, #tpu.memory_space<vmem_shared>> -> memref<80x128xf32, #tpu.memory_space<vmem_shared>>
      %dma_start3A_60 = arith.constant 0 : i32
      %dma_start3A_61 = tpu.memref_slice %arg11[%add3A_32, %dma_start3A_60] : memref<10240x128xf32, #tpu.memory_space<vmem_shared>> -> memref<80x128xf32, #tpu.memory_space<vmem_shared>>
      tpu.enqueue_dma source(%dma_start3A_61 : memref<80x128xf32, #tpu.memory_space<vmem_shared>>) target(%arg8 : memref<80x128xf32, #tpu.memory_space<vmem>>) target_semaphore(%run_scoped3A : memref<!tpu.dma_semaphore, #tpu.memory_space<semaphore_mem>>)
      %dma_wait3A = arith.constant 0 : i32
      %dma_wait3A_62 = tpu.memref_slice %arg11[%add3A_32, %dma_wait3A] : memref<10240x128xf32, #tpu.memory_space<vmem_shared>> -> memref<80x128xf32, #tpu.memory_space<vmem_shared>>
      %dma_wait3A_63 = arith.constant 0 : i32
      %dma_wait3A_64 = tpu.memref_slice %arg11[%add3A_32, %dma_wait3A_63] : memref<10240x128xf32, #tpu.memory_space<vmem_shared>> -> memref<80x128xf32, #tpu.memory_space<vmem_shared>>
      tpu.wait_dma2 semaphore(%run_scoped3A : memref<!tpu.dma_semaphore, #tpu.memory_space<semaphore_mem>>) src(%dma_wait3A_64 : memref<80x128xf32, #tpu.memory_space<vmem_shared>>) dst(%arg8 : memref<80x128xf32, #tpu.memory_space<vmem>>)
      tpu.yield
    }) : () -> ()
    %add3A_33 = arith.constant 80 : i32
    %add3A_34 = arith.addi %mul3A_0, %add3A_33 : i32
    "tpu.region"() ({
      %run_scoped3A = tpu.sem_alloc : memref<!tpu.dma_semaphore, #tpu.memory_space<semaphore_mem>>
      %dma_start3A = arith.constant 0 : i32
      %dma_start3A_59 = tpu.memref_slice %arg5[%arg0, %add3A_34, %dma_start3A] : memref<2x10240x128xf32, #tpu.memory_space<hbm>> -> memref<1x80x128xf32, #tpu.memory_space<hbm>>
      %dma_start3A_60 = tpu.memref_squeeze %dma_start3A_59 : memref<1x80x128xf32, #tpu.memory_space<hbm>> -> memref<80x128xf32, #tpu.memory_space<hbm>>
      %dma_start3A_61 = arith.constant 0 : i32
      %dma_start3A_62 = tpu.memref_slice %arg5[%arg0, %add3A_34, %dma_start3A_61] : memref<2x10240x128xf32, #tpu.memory_space<hbm>> -> memref<1x80x128xf32, #tpu.memory_space<hbm>>
      %dma_start3A_63 = tpu.memref_squeeze %dma_start3A_62 : memref<1x80x128xf32, #tpu.memory_space<hbm>> -> memref<80x128xf32, #tpu.memory_space<hbm>>
      tpu.enqueue_dma source(%arg8 : memref<80x128xf32, #tpu.memory_space<vmem>>) target(%dma_start3A_63 : memref<80x128xf32, #tpu.memory_space<hbm>>) target_semaphore(%run_scoped3A : memref<!tpu.dma_semaphore, #tpu.memory_space<semaphore_mem>>)
      %dma_wait3A = arith.constant 0 : i32
      %dma_wait3A_64 = tpu.memref_slice %arg5[%arg0, %add3A_34, %dma_wait3A] : memref<2x10240x128xf32, #tpu.memory_space<hbm>> -> memref<1x80x128xf32, #tpu.memory_space<hbm>>
      %dma_wait3A_65 = tpu.memref_squeeze %dma_wait3A_64 : memref<1x80x128xf32, #tpu.memory_space<hbm>> -> memref<80x128xf32, #tpu.memory_space<hbm>>
      %dma_wait3A_66 = arith.constant 0 : i32
      %dma_wait3A_67 = tpu.memref_slice %arg5[%arg0, %add3A_34, %dma_wait3A_66] : memref<2x10240x128xf32, #tpu.memory_space<hbm>> -> memref<1x80x128xf32, #tpu.memory_space<hbm>>
      %dma_wait3A_68 = tpu.memref_squeeze %dma_wait3A_67 : memref<1x80x128xf32, #tpu.memory_space<hbm>> -> memref<80x128xf32, #tpu.memory_space<hbm>>
      tpu.wait_dma2 semaphore(%run_scoped3A : memref<!tpu.dma_semaphore, #tpu.memory_space<semaphore_mem>>) src(%arg8 : memref<80x128xf32, #tpu.memory_space<vmem>>) dst(%dma_wait3A_68 : memref<80x128xf32, #tpu.memory_space<hbm>>)
      tpu.yield
    }) : () -> ()
    %add3A_35 = arith.constant 160 : i32
    %add3A_36 = arith.addi %mul3A_0, %add3A_35 : i32
    "tpu.region"() ({
      %run_scoped3A = tpu.sem_alloc : memref<!tpu.dma_semaphore, #tpu.memory_space<semaphore_mem>>
      %dma_start3A = arith.constant 0 : i32
      %dma_start3A_59 = tpu.memref_slice %arg11[%add3A_36, %dma_start3A] : memref<10240x128xf32, #tpu.memory_space<vmem_shared>> -> memref<80x128xf32, #tpu.memory_space<vmem_shared>>
      %dma_start3A_60 = arith.constant 0 : i32
      %dma_start3A_61 = tpu.memref_slice %arg11[%add3A_36, %dma_start3A_60] : memref<10240x128xf32, #tpu.memory_space<vmem_shared>> -> memref<80x128xf32, #tpu.memory_space<vmem_shared>>
      tpu.enqueue_dma source(%dma_start3A_61 : memref<80x128xf32, #tpu.memory_space<vmem_shared>>) target(%arg8 : memref<80x128xf32, #tpu.memory_space<vmem>>) target_semaphore(%run_scoped3A : memref<!tpu.dma_semaphore, #tpu.memory_space<semaphore_mem>>)
      %dma_wait3A = arith.constant 0 : i32
      %dma_wait3A_62 = tpu.memref_slice %arg11[%add3A_36, %dma_wait3A] : memref<10240x128xf32, #tpu.memory_space<vmem_shared>> -> memref<80x128xf32, #tpu.memory_space<vmem_shared>>
      %dma_wait3A_63 = arith.constant 0 : i32
      %dma_wait3A_64 = tpu.memref_slice %arg11[%add3A_36, %dma_wait3A_63] : memref<10240x128xf32, #tpu.memory_space<vmem_shared>> -> memref<80x128xf32, #tpu.memory_space<vmem_shared>>
      tpu.wait_dma2 semaphore(%run_scoped3A : memref<!tpu.dma_semaphore, #tpu.memory_space<semaphore_mem>>) src(%dma_wait3A_64 : memref<80x128xf32, #tpu.memory_space<vmem_shared>>) dst(%arg8 : memref<80x128xf32, #tpu.memory_space<vmem>>)
      tpu.yield
    }) : () -> ()
    %add3A_37 = arith.constant 160 : i32
    %add3A_38 = arith.addi %mul3A_0, %add3A_37 : i32
    "tpu.region"() ({
      %run_scoped3A = tpu.sem_alloc : memref<!tpu.dma_semaphore, #tpu.memory_space<semaphore_mem>>
      %dma_start3A = arith.constant 0 : i32
      %dma_start3A_59 = tpu.memref_slice %arg5[%arg0, %add3A_38, %dma_start3A] : memref<2x10240x128xf32, #tpu.memory_space<hbm>> -> memref<1x80x128xf32, #tpu.memory_space<hbm>>
      %dma_start3A_60 = tpu.memref_squeeze %dma_start3A_59 : memref<1x80x128xf32, #tpu.memory_space<hbm>> -> memref<80x128xf32, #tpu.memory_space<hbm>>
      %dma_start3A_61 = arith.constant 0 : i32
      %dma_start3A_62 = tpu.memref_slice %arg5[%arg0, %add3A_38, %dma_start3A_61] : memref<2x10240x128xf32, #tpu.memory_space<hbm>> -> memref<1x80x128xf32, #tpu.memory_space<hbm>>
      %dma_start3A_63 = tpu.memref_squeeze %dma_start3A_62 : memref<1x80x128xf32, #tpu.memory_space<hbm>> -> memref<80x128xf32, #tpu.memory_space<hbm>>
      tpu.enqueue_dma source(%arg8 : memref<80x128xf32, #tpu.memory_space<vmem>>) target(%dma_start3A_63 : memref<80x128xf32, #tpu.memory_space<hbm>>) target_semaphore(%run_scoped3A : memref<!tpu.dma_semaphore, #tpu.memory_space<semaphore_mem>>)
      %dma_wait3A = arith.constant 0 : i32
      %dma_wait3A_64 = tpu.memref_slice %arg5[%arg0, %add3A_38, %dma_wait3A] : memref<2x10240x128xf32, #tpu.memory_space<hbm>> -> memref<1x80x128xf32, #tpu.memory_space<hbm>>
      %dma_wait3A_65 = tpu.memref_squeeze %dma_wait3A_64 : memref<1x80x128xf32, #tpu.memory_space<hbm>> -> memref<80x128xf32, #tpu.memory_space<hbm>>
      %dma_wait3A_66 = arith.constant 0 : i32
      %dma_wait3A_67 = tpu.memref_slice %arg5[%arg0, %add3A_38, %dma_wait3A_66] : memref<2x10240x128xf32, #tpu.memory_space<hbm>> -> memref<1x80x128xf32, #tpu.memory_space<hbm>>
      %dma_wait3A_68 = tpu.memref_squeeze %dma_wait3A_67 : memref<1x80x128xf32, #tpu.memory_space<hbm>> -> memref<80x128xf32, #tpu.memory_space<hbm>>
      tpu.wait_dma2 semaphore(%run_scoped3A : memref<!tpu.dma_semaphore, #tpu.memory_space<semaphore_mem>>) src(%arg8 : memref<80x128xf32, #tpu.memory_space<vmem>>) dst(%dma_wait3A_68 : memref<80x128xf32, #tpu.memory_space<hbm>>)
      tpu.yield
    }) : () -> ()
    %add3A_39 = arith.constant 240 : i32
    %add3A_40 = arith.addi %mul3A_0, %add3A_39 : i32
    "tpu.region"() ({
      %run_scoped3A = tpu.sem_alloc : memref<!tpu.dma_semaphore, #tpu.memory_space<semaphore_mem>>
      %dma_start3A = arith.constant 0 : i32
      %dma_start3A_59 = tpu.memref_slice %arg11[%add3A_40, %dma_start3A] : memref<10240x128xf32, #tpu.memory_space<vmem_shared>> -> memref<80x128xf32, #tpu.memory_space<vmem_shared>>
      %dma_start3A_60 = arith.constant 0 : i32
      %dma_start3A_61 = tpu.memref_slice %arg11[%add3A_40, %dma_start3A_60] : memref<10240x128xf32, #tpu.memory_space<vmem_shared>> -> memref<80x128xf32, #tpu.memory_space<vmem_shared>>
      tpu.enqueue_dma source(%dma_start3A_61 : memref<80x128xf32, #tpu.memory_space<vmem_shared>>) target(%arg8 : memref<80x128xf32, #tpu.memory_space<vmem>>) target_semaphore(%run_scoped3A : memref<!tpu.dma_semaphore, #tpu.memory_space<semaphore_mem>>)
      %dma_wait3A = arith.constant 0 : i32
      %dma_wait3A_62 = tpu.memref_slice %arg11[%add3A_40, %dma_wait3A] : memref<10240x128xf32, #tpu.memory_space<vmem_shared>> -> memref<80x128xf32, #tpu.memory_space<vmem_shared>>
      %dma_wait3A_63 = arith.constant 0 : i32
      %dma_wait3A_64 = tpu.memref_slice %arg11[%add3A_40, %dma_wait3A_63] : memref<10240x128xf32, #tpu.memory_space<vmem_shared>> -> memref<80x128xf32, #tpu.memory_space<vmem_shared>>
      tpu.wait_dma2 semaphore(%run_scoped3A : memref<!tpu.dma_semaphore, #tpu.memory_space<semaphore_mem>>) src(%dma_wait3A_64 : memref<80x128xf32, #tpu.memory_space<vmem_shared>>) dst(%arg8 : memref<80x128xf32, #tpu.memory_space<vmem>>)
      tpu.yield
    }) : () -> ()
    %add3A_41 = arith.constant 240 : i32
    %add3A_42 = arith.addi %mul3A_0, %add3A_41 : i32
    "tpu.region"() ({
      %run_scoped3A = tpu.sem_alloc : memref<!tpu.dma_semaphore, #tpu.memory_space<semaphore_mem>>
      %dma_start3A = arith.constant 0 : i32
      %dma_start3A_59 = tpu.memref_slice %arg5[%arg0, %add3A_42, %dma_start3A] : memref<2x10240x128xf32, #tpu.memory_space<hbm>> -> memref<1x80x128xf32, #tpu.memory_space<hbm>>
      %dma_start3A_60 = tpu.memref_squeeze %dma_start3A_59 : memref<1x80x128xf32, #tpu.memory_space<hbm>> -> memref<80x128xf32, #tpu.memory_space<hbm>>
      %dma_start3A_61 = arith.constant 0 : i32
      %dma_start3A_62 = tpu.memref_slice %arg5[%arg0, %add3A_42, %dma_start3A_61] : memref<2x10240x128xf32, #tpu.memory_space<hbm>> -> memref<1x80x128xf32, #tpu.memory_space<hbm>>
      %dma_start3A_63 = tpu.memref_squeeze %dma_start3A_62 : memref<1x80x128xf32, #tpu.memory_space<hbm>> -> memref<80x128xf32, #tpu.memory_space<hbm>>
      tpu.enqueue_dma source(%arg8 : memref<80x128xf32, #tpu.memory_space<vmem>>) target(%dma_start3A_63 : memref<80x128xf32, #tpu.memory_space<hbm>>) target_semaphore(%run_scoped3A : memref<!tpu.dma_semaphore, #tpu.memory_space<semaphore_mem>>)
      %dma_wait3A = arith.constant 0 : i32
      %dma_wait3A_64 = tpu.memref_slice %arg5[%arg0, %add3A_42, %dma_wait3A] : memref<2x10240x128xf32, #tpu.memory_space<hbm>> -> memref<1x80x128xf32, #tpu.memory_space<hbm>>
      %dma_wait3A_65 = tpu.memref_squeeze %dma_wait3A_64 : memref<1x80x128xf32, #tpu.memory_space<hbm>> -> memref<80x128xf32, #tpu.memory_space<hbm>>
      %dma_wait3A_66 = arith.constant 0 : i32
      %dma_wait3A_67 = tpu.memref_slice %arg5[%arg0, %add3A_42, %dma_wait3A_66] : memref<2x10240x128xf32, #tpu.memory_space<hbm>> -> memref<1x80x128xf32, #tpu.memory_space<hbm>>
      %dma_wait3A_68 = tpu.memref_squeeze %dma_wait3A_67 : memref<1x80x128xf32, #tpu.memory_space<hbm>> -> memref<80x128xf32, #tpu.memory_space<hbm>>
      tpu.wait_dma2 semaphore(%run_scoped3A : memref<!tpu.dma_semaphore, #tpu.memory_space<semaphore_mem>>) src(%arg8 : memref<80x128xf32, #tpu.memory_space<vmem>>) dst(%dma_wait3A_68 : memref<80x128xf32, #tpu.memory_space<hbm>>)
      tpu.yield
    }) : () -> ()
    %add3A_43 = arith.constant 320 : i32
    %add3A_44 = arith.addi %mul3A_0, %add3A_43 : i32
    "tpu.region"() ({
      %run_scoped3A = tpu.sem_alloc : memref<!tpu.dma_semaphore, #tpu.memory_space<semaphore_mem>>
      %dma_start3A = arith.constant 0 : i32
      %dma_start3A_59 = tpu.memref_slice %arg11[%add3A_44, %dma_start3A] : memref<10240x128xf32, #tpu.memory_space<vmem_shared>> -> memref<80x128xf32, #tpu.memory_space<vmem_shared>>
      %dma_start3A_60 = arith.constant 0 : i32
      %dma_start3A_61 = tpu.memref_slice %arg11[%add3A_44, %dma_start3A_60] : memref<10240x128xf32, #tpu.memory_space<vmem_shared>> -> memref<80x128xf32, #tpu.memory_space<vmem_shared>>
      tpu.enqueue_dma source(%dma_start3A_61 : memref<80x128xf32, #tpu.memory_space<vmem_shared>>) target(%arg8 : memref<80x128xf32, #tpu.memory_space<vmem>>) target_semaphore(%run_scoped3A : memref<!tpu.dma_semaphore, #tpu.memory_space<semaphore_mem>>)
      %dma_wait3A = arith.constant 0 : i32
      %dma_wait3A_62 = tpu.memref_slice %arg11[%add3A_44, %dma_wait3A] : memref<10240x128xf32, #tpu.memory_space<vmem_shared>> -> memref<80x128xf32, #tpu.memory_space<vmem_shared>>
      %dma_wait3A_63 = arith.constant 0 : i32
      %dma_wait3A_64 = tpu.memref_slice %arg11[%add3A_44, %dma_wait3A_63] : memref<10240x128xf32, #tpu.memory_space<vmem_shared>> -> memref<80x128xf32, #tpu.memory_space<vmem_shared>>
      tpu.wait_dma2 semaphore(%run_scoped3A : memref<!tpu.dma_semaphore, #tpu.memory_space<semaphore_mem>>) src(%dma_wait3A_64 : memref<80x128xf32, #tpu.memory_space<vmem_shared>>) dst(%arg8 : memref<80x128xf32, #tpu.memory_space<vmem>>)
      tpu.yield
    }) : () -> ()
    %add3A_45 = arith.constant 320 : i32
    %add3A_46 = arith.addi %mul3A_0, %add3A_45 : i32
    "tpu.region"() ({
      %run_scoped3A = tpu.sem_alloc : memref<!tpu.dma_semaphore, #tpu.memory_space<semaphore_mem>>
      %dma_start3A = arith.constant 0 : i32
      %dma_start3A_59 = tpu.memref_slice %arg5[%arg0, %add3A_46, %dma_start3A] : memref<2x10240x128xf32, #tpu.memory_space<hbm>> -> memref<1x80x128xf32, #tpu.memory_space<hbm>>
      %dma_start3A_60 = tpu.memref_squeeze %dma_start3A_59 : memref<1x80x128xf32, #tpu.memory_space<hbm>> -> memref<80x128xf32, #tpu.memory_space<hbm>>
      %dma_start3A_61 = arith.constant 0 : i32
      %dma_start3A_62 = tpu.memref_slice %arg5[%arg0, %add3A_46, %dma_start3A_61] : memref<2x10240x128xf32, #tpu.memory_space<hbm>> -> memref<1x80x128xf32, #tpu.memory_space<hbm>>
      %dma_start3A_63 = tpu.memref_squeeze %dma_start3A_62 : memref<1x80x128xf32, #tpu.memory_space<hbm>> -> memref<80x128xf32, #tpu.memory_space<hbm>>
      tpu.enqueue_dma source(%arg8 : memref<80x128xf32, #tpu.memory_space<vmem>>) target(%dma_start3A_63 : memref<80x128xf32, #tpu.memory_space<hbm>>) target_semaphore(%run_scoped3A : memref<!tpu.dma_semaphore, #tpu.memory_space<semaphore_mem>>)
      %dma_wait3A = arith.constant 0 : i32
      %dma_wait3A_64 = tpu.memref_slice %arg5[%arg0, %add3A_46, %dma_wait3A] : memref<2x10240x128xf32, #tpu.memory_space<hbm>> -> memref<1x80x128xf32, #tpu.memory_space<hbm>>
      %dma_wait3A_65 = tpu.memref_squeeze %dma_wait3A_64 : memref<1x80x128xf32, #tpu.memory_space<hbm>> -> memref<80x128xf32, #tpu.memory_space<hbm>>
      %dma_wait3A_66 = arith.constant 0 : i32
      %dma_wait3A_67 = tpu.memref_slice %arg5[%arg0, %add3A_46, %dma_wait3A_66] : memref<2x10240x128xf32, #tpu.memory_space<hbm>> -> memref<1x80x128xf32, #tpu.memory_space<hbm>>
      %dma_wait3A_68 = tpu.memref_squeeze %dma_wait3A_67 : memref<1x80x128xf32, #tpu.memory_space<hbm>> -> memref<80x128xf32, #tpu.memory_space<hbm>>
      tpu.wait_dma2 semaphore(%run_scoped3A : memref<!tpu.dma_semaphore, #tpu.memory_space<semaphore_mem>>) src(%arg8 : memref<80x128xf32, #tpu.memory_space<vmem>>) dst(%dma_wait3A_68 : memref<80x128xf32, #tpu.memory_space<hbm>>)
      tpu.yield
    }) : () -> ()
    %add3A_47 = arith.constant 400 : i32
    %add3A_48 = arith.addi %mul3A_0, %add3A_47 : i32
    "tpu.region"() ({
      %run_scoped3A = tpu.sem_alloc : memref<!tpu.dma_semaphore, #tpu.memory_space<semaphore_mem>>
      %dma_start3A = arith.constant 0 : i32
      %dma_start3A_59 = tpu.memref_slice %arg11[%add3A_48, %dma_start3A] : memref<10240x128xf32, #tpu.memory_space<vmem_shared>> -> memref<80x128xf32, #tpu.memory_space<vmem_shared>>
      %dma_start3A_60 = arith.constant 0 : i32
      %dma_start3A_61 = tpu.memref_slice %arg11[%add3A_48, %dma_start3A_60] : memref<10240x128xf32, #tpu.memory_space<vmem_shared>> -> memref<80x128xf32, #tpu.memory_space<vmem_shared>>
      tpu.enqueue_dma source(%dma_start3A_61 : memref<80x128xf32, #tpu.memory_space<vmem_shared>>) target(%arg8 : memref<80x128xf32, #tpu.memory_space<vmem>>) target_semaphore(%run_scoped3A : memref<!tpu.dma_semaphore, #tpu.memory_space<semaphore_mem>>)
      %dma_wait3A = arith.constant 0 : i32
      %dma_wait3A_62 = tpu.memref_slice %arg11[%add3A_48, %dma_wait3A] : memref<10240x128xf32, #tpu.memory_space<vmem_shared>> -> memref<80x128xf32, #tpu.memory_space<vmem_shared>>
      %dma_wait3A_63 = arith.constant 0 : i32
      %dma_wait3A_64 = tpu.memref_slice %arg11[%add3A_48, %dma_wait3A_63] : memref<10240x128xf32, #tpu.memory_space<vmem_shared>> -> memref<80x128xf32, #tpu.memory_space<vmem_shared>>
      tpu.wait_dma2 semaphore(%run_scoped3A : memref<!tpu.dma_semaphore, #tpu.memory_space<semaphore_mem>>) src(%dma_wait3A_64 : memref<80x128xf32, #tpu.memory_space<vmem_shared>>) dst(%arg8 : memref<80x128xf32, #tpu.memory_space<vmem>>)
      tpu.yield
    }) : () -> ()
    %add3A_49 = arith.constant 400 : i32
    %add3A_50 = arith.addi %mul3A_0, %add3A_49 : i32
    "tpu.region"() ({
      %run_scoped3A = tpu.sem_alloc : memref<!tpu.dma_semaphore, #tpu.memory_space<semaphore_mem>>
      %dma_start3A = arith.constant 0 : i32
      %dma_start3A_59 = tpu.memref_slice %arg5[%arg0, %add3A_50, %dma_start3A] : memref<2x10240x128xf32, #tpu.memory_space<hbm>> -> memref<1x80x128xf32, #tpu.memory_space<hbm>>
      %dma_start3A_60 = tpu.memref_squeeze %dma_start3A_59 : memref<1x80x128xf32, #tpu.memory_space<hbm>> -> memref<80x128xf32, #tpu.memory_space<hbm>>
      %dma_start3A_61 = arith.constant 0 : i32
      %dma_start3A_62 = tpu.memref_slice %arg5[%arg0, %add3A_50, %dma_start3A_61] : memref<2x10240x128xf32, #tpu.memory_space<hbm>> -> memref<1x80x128xf32, #tpu.memory_space<hbm>>
      %dma_start3A_63 = tpu.memref_squeeze %dma_start3A_62 : memref<1x80x128xf32, #tpu.memory_space<hbm>> -> memref<80x128xf32, #tpu.memory_space<hbm>>
      tpu.enqueue_dma source(%arg8 : memref<80x128xf32, #tpu.memory_space<vmem>>) target(%dma_start3A_63 : memref<80x128xf32, #tpu.memory_space<hbm>>) target_semaphore(%run_scoped3A : memref<!tpu.dma_semaphore, #tpu.memory_space<semaphore_mem>>)
      %dma_wait3A = arith.constant 0 : i32
      %dma_wait3A_64 = tpu.memref_slice %arg5[%arg0, %add3A_50, %dma_wait3A] : memref<2x10240x128xf32, #tpu.memory_space<hbm>> -> memref<1x80x128xf32, #tpu.memory_space<hbm>>
      %dma_wait3A_65 = tpu.memref_squeeze %dma_wait3A_64 : memref<1x80x128xf32, #tpu.memory_space<hbm>> -> memref<80x128xf32, #tpu.memory_space<hbm>>
      %dma_wait3A_66 = arith.constant 0 : i32
      %dma_wait3A_67 = tpu.memref_slice %arg5[%arg0, %add3A_50, %dma_wait3A_66] : memref<2x10240x128xf32, #tpu.memory_space<hbm>> -> memref<1x80x128xf32, #tpu.memory_space<hbm>>
      %dma_wait3A_68 = tpu.memref_squeeze %dma_wait3A_67 : memref<1x80x128xf32, #tpu.memory_space<hbm>> -> memref<80x128xf32, #tpu.memory_space<hbm>>
      tpu.wait_dma2 semaphore(%run_scoped3A : memref<!tpu.dma_semaphore, #tpu.memory_space<semaphore_mem>>) src(%arg8 : memref<80x128xf32, #tpu.memory_space<vmem>>) dst(%dma_wait3A_68 : memref<80x128xf32, #tpu.memory_space<hbm>>)
      tpu.yield
    }) : () -> ()
    %add3A_51 = arith.constant 480 : i32
    %add3A_52 = arith.addi %mul3A_0, %add3A_51 : i32
    "tpu.region"() ({
      %run_scoped3A = tpu.sem_alloc : memref<!tpu.dma_semaphore, #tpu.memory_space<semaphore_mem>>
      %dma_start3A = arith.constant 0 : i32
      %dma_start3A_59 = tpu.memref_slice %arg11[%add3A_52, %dma_start3A] : memref<10240x128xf32, #tpu.memory_space<vmem_shared>> -> memref<80x128xf32, #tpu.memory_space<vmem_shared>>
      %dma_start3A_60 = arith.constant 0 : i32
      %dma_start3A_61 = tpu.memref_slice %arg11[%add3A_52, %dma_start3A_60] : memref<10240x128xf32, #tpu.memory_space<vmem_shared>> -> memref<80x128xf32, #tpu.memory_space<vmem_shared>>
      tpu.enqueue_dma source(%dma_start3A_61 : memref<80x128xf32, #tpu.memory_space<vmem_shared>>) target(%arg8 : memref<80x128xf32, #tpu.memory_space<vmem>>) target_semaphore(%run_scoped3A : memref<!tpu.dma_semaphore, #tpu.memory_space<semaphore_mem>>)
      %dma_wait3A = arith.constant 0 : i32
      %dma_wait3A_62 = tpu.memref_slice %arg11[%add3A_52, %dma_wait3A] : memref<10240x128xf32, #tpu.memory_space<vmem_shared>> -> memref<80x128xf32, #tpu.memory_space<vmem_shared>>
      %dma_wait3A_63 = arith.constant 0 : i32
      %dma_wait3A_64 = tpu.memref_slice %arg11[%add3A_52, %dma_wait3A_63] : memref<10240x128xf32, #tpu.memory_space<vmem_shared>> -> memref<80x128xf32, #tpu.memory_space<vmem_shared>>
      tpu.wait_dma2 semaphore(%run_scoped3A : memref<!tpu.dma_semaphore, #tpu.memory_space<semaphore_mem>>) src(%dma_wait3A_64 : memref<80x128xf32, #tpu.memory_space<vmem_shared>>) dst(%arg8 : memref<80x128xf32, #tpu.memory_space<vmem>>)
      tpu.yield
    }) : () -> ()
    %add3A_53 = arith.constant 480 : i32
    %add3A_54 = arith.addi %mul3A_0, %add3A_53 : i32
    "tpu.region"() ({
      %run_scoped3A = tpu.sem_alloc : memref<!tpu.dma_semaphore, #tpu.memory_space<semaphore_mem>>
      %dma_start3A = arith.constant 0 : i32
      %dma_start3A_59 = tpu.memref_slice %arg5[%arg0, %add3A_54, %dma_start3A] : memref<2x10240x128xf32, #tpu.memory_space<hbm>> -> memref<1x80x128xf32, #tpu.memory_space<hbm>>
      %dma_start3A_60 = tpu.memref_squeeze %dma_start3A_59 : memref<1x80x128xf32, #tpu.memory_space<hbm>> -> memref<80x128xf32, #tpu.memory_space<hbm>>
      %dma_start3A_61 = arith.constant 0 : i32
      %dma_start3A_62 = tpu.memref_slice %arg5[%arg0, %add3A_54, %dma_start3A_61] : memref<2x10240x128xf32, #tpu.memory_space<hbm>> -> memref<1x80x128xf32, #tpu.memory_space<hbm>>
      %dma_start3A_63 = tpu.memref_squeeze %dma_start3A_62 : memref<1x80x128xf32, #tpu.memory_space<hbm>> -> memref<80x128xf32, #tpu.memory_space<hbm>>
      tpu.enqueue_dma source(%arg8 : memref<80x128xf32, #tpu.memory_space<vmem>>) target(%dma_start3A_63 : memref<80x128xf32, #tpu.memory_space<hbm>>) target_semaphore(%run_scoped3A : memref<!tpu.dma_semaphore, #tpu.memory_space<semaphore_mem>>)
      %dma_wait3A = arith.constant 0 : i32
      %dma_wait3A_64 = tpu.memref_slice %arg5[%arg0, %add3A_54, %dma_wait3A] : memref<2x10240x128xf32, #tpu.memory_space<hbm>> -> memref<1x80x128xf32, #tpu.memory_space<hbm>>
      %dma_wait3A_65 = tpu.memref_squeeze %dma_wait3A_64 : memref<1x80x128xf32, #tpu.memory_space<hbm>> -> memref<80x128xf32, #tpu.memory_space<hbm>>
      %dma_wait3A_66 = arith.constant 0 : i32
      %dma_wait3A_67 = tpu.memref_slice %arg5[%arg0, %add3A_54, %dma_wait3A_66] : memref<2x10240x128xf32, #tpu.memory_space<hbm>> -> memref<1x80x128xf32, #tpu.memory_space<hbm>>
      %dma_wait3A_68 = tpu.memref_squeeze %dma_wait3A_67 : memref<1x80x128xf32, #tpu.memory_space<hbm>> -> memref<80x128xf32, #tpu.memory_space<hbm>>
      tpu.wait_dma2 semaphore(%run_scoped3A : memref<!tpu.dma_semaphore, #tpu.memory_space<semaphore_mem>>) src(%arg8 : memref<80x128xf32, #tpu.memory_space<vmem>>) dst(%dma_wait3A_68 : memref<80x128xf32, #tpu.memory_space<hbm>>)
      tpu.yield
    }) : () -> ()
    %add3A_55 = arith.constant 560 : i32
    %add3A_56 = arith.addi %mul3A_0, %add3A_55 : i32
    "tpu.region"() ({
      %run_scoped3A = tpu.sem_alloc : memref<!tpu.dma_semaphore, #tpu.memory_space<semaphore_mem>>
      %dma_start3A = arith.constant 0 : i32
      %dma_start3A_59 = tpu.memref_slice %arg11[%add3A_56, %dma_start3A] : memref<10240x128xf32, #tpu.memory_space<vmem_shared>> -> memref<80x128xf32, #tpu.memory_space<vmem_shared>>
      %dma_start3A_60 = arith.constant 0 : i32
      %dma_start3A_61 = tpu.memref_slice %arg11[%add3A_56, %dma_start3A_60] : memref<10240x128xf32, #tpu.memory_space<vmem_shared>> -> memref<80x128xf32, #tpu.memory_space<vmem_shared>>
      tpu.enqueue_dma source(%dma_start3A_61 : memref<80x128xf32, #tpu.memory_space<vmem_shared>>) target(%arg8 : memref<80x128xf32, #tpu.memory_space<vmem>>) target_semaphore(%run_scoped3A : memref<!tpu.dma_semaphore, #tpu.memory_space<semaphore_mem>>)
      %dma_wait3A = arith.constant 0 : i32
      %dma_wait3A_62 = tpu.memref_slice %arg11[%add3A_56, %dma_wait3A] : memref<10240x128xf32, #tpu.memory_space<vmem_shared>> -> memref<80x128xf32, #tpu.memory_space<vmem_shared>>
      %dma_wait3A_63 = arith.constant 0 : i32
      %dma_wait3A_64 = tpu.memref_slice %arg11[%add3A_56, %dma_wait3A_63] : memref<10240x128xf32, #tpu.memory_space<vmem_shared>> -> memref<80x128xf32, #tpu.memory_space<vmem_shared>>
      tpu.wait_dma2 semaphore(%run_scoped3A : memref<!tpu.dma_semaphore, #tpu.memory_space<semaphore_mem>>) src(%dma_wait3A_64 : memref<80x128xf32, #tpu.memory_space<vmem_shared>>) dst(%arg8 : memref<80x128xf32, #tpu.memory_space<vmem>>)
      tpu.yield
    }) : () -> ()
    %add3A_57 = arith.constant 560 : i32
    %add3A_58 = arith.addi %mul3A_0, %add3A_57 : i32
    "tpu.region"() ({
      %run_scoped3A = tpu.sem_alloc : memref<!tpu.dma_semaphore, #tpu.memory_space<semaphore_mem>>
      %dma_start3A = arith.constant 0 : i32
      %dma_start3A_59 = tpu.memref_slice %arg5[%arg0, %add3A_58, %dma_start3A] : memref<2x10240x128xf32, #tpu.memory_space<hbm>> -> memref<1x80x128xf32, #tpu.memory_space<hbm>>
      %dma_start3A_60 = tpu.memref_squeeze %dma_start3A_59 : memref<1x80x128xf32, #tpu.memory_space<hbm>> -> memref<80x128xf32, #tpu.memory_space<hbm>>
      %dma_start3A_61 = arith.constant 0 : i32
      %dma_start3A_62 = tpu.memref_slice %arg5[%arg0, %add3A_58, %dma_start3A_61] : memref<2x10240x128xf32, #tpu.memory_space<hbm>> -> memref<1x80x128xf32, #tpu.memory_space<hbm>>
      %dma_start3A_63 = tpu.memref_squeeze %dma_start3A_62 : memref<1x80x128xf32, #tpu.memory_space<hbm>> -> memref<80x128xf32, #tpu.memory_space<hbm>>
      tpu.enqueue_dma source(%arg8 : memref<80x128xf32, #tpu.memory_space<vmem>>) target(%dma_start3A_63 : memref<80x128xf32, #tpu.memory_space<hbm>>) target_semaphore(%run_scoped3A : memref<!tpu.dma_semaphore, #tpu.memory_space<semaphore_mem>>)
      %dma_wait3A = arith.constant 0 : i32
      %dma_wait3A_64 = tpu.memref_slice %arg5[%arg0, %add3A_58, %dma_wait3A] : memref<2x10240x128xf32, #tpu.memory_space<hbm>> -> memref<1x80x128xf32, #tpu.memory_space<hbm>>
      %dma_wait3A_65 = tpu.memref_squeeze %dma_wait3A_64 : memref<1x80x128xf32, #tpu.memory_space<hbm>> -> memref<80x128xf32, #tpu.memory_space<hbm>>
      %dma_wait3A_66 = arith.constant 0 : i32
      %dma_wait3A_67 = tpu.memref_slice %arg5[%arg0, %add3A_58, %dma_wait3A_66] : memref<2x10240x128xf32, #tpu.memory_space<hbm>> -> memref<1x80x128xf32, #tpu.memory_space<hbm>>
      %dma_wait3A_68 = tpu.memref_squeeze %dma_wait3A_67 : memref<1x80x128xf32, #tpu.memory_space<hbm>> -> memref<80x128xf32, #tpu.memory_space<hbm>>
      tpu.wait_dma2 semaphore(%run_scoped3A : memref<!tpu.dma_semaphore, #tpu.memory_space<semaphore_mem>>) src(%arg8 : memref<80x128xf32, #tpu.memory_space<vmem>>) dst(%dma_wait3A_68 : memref<80x128xf32, #tpu.memory_space<hbm>>)
      tpu.yield
    }) : () -> ()
    return
  }
}

#map = affine_map<(d0, d1) -> (0)>
#map1 = affine_map<(d0, d1) -> (0, 0)>
#map2 = affine_map<(d0, d1) -> (0, 0, 0)>
module attributes {stable_mosaic.version = 14 : i64} {
  func.func @deg(%arg0: i32, %arg1: i32, %arg2: memref<322560xi32, #tpu.memory_space<hbm>>, %arg3: memref<80x128xf32, #tpu.memory_space<hbm>>, %arg4: memref<112x128xf32, #tpu.memory_space<hbm>>, %arg5: memref<2x10240x128xf32, #tpu.memory_space<hbm>>, %arg6: memref<112xi32, #tpu.memory_space<vmem>>, %arg7: memref<112x128xf32, #tpu.memory_space<vmem>>, %arg8: memref<80x128xf32, #tpu.memory_space<vmem>>, %arg9: memref<10240x128xf32, #tpu.memory_space<vmem_shared>>) attributes {dimension_semantics = [#tpu.dimension_semantics<core_parallel>, #tpu.dimension_semantics<subcore_parallel>], iteration_bounds = array<i64: 2, 16>, scalar_prefetch = 0 : i64, scratch_operands = 4 : i64, tpu.core_type = #tpu.core_type<sc_vector_subcore>, window_params = [{transform_indices = #map}, {transform_indices = #map1}, {transform_indices = #map1}, {transform_indices = #map2}]} {
    %mul3A = arith.constant 640 : i32
    %mul3A_0 = arith.muli %arg1, %mul3A : i32
    "tpu.region"() ({
      %run_scoped3A = tpu.sem_alloc : memref<!tpu.dma_semaphore, #tpu.memory_space<semaphore_mem>>
      %dma_start3A = arith.constant 0 : i32
      %dma_start3A_59 = arith.constant 0 : i32
      %dma_start3A_60 = tpu.memref_slice %arg3[%dma_start3A, %dma_start3A_59] : memref<80x128xf32, #tpu.memory_space<hbm>> -> memref<80x128xf32, #tpu.memory_space<hbm>>
      %dma_start3A_61 = arith.constant 0 : i32
      %dma_start3A_62 = arith.constant 0 : i32
      %dma_start3A_63 = tpu.memref_slice %arg3[%dma_start3A_61, %dma_start3A_62] : memref<80x128xf32, #tpu.memory_space<hbm>> -> memref<80x128xf32, #tpu.memory_space<hbm>>
      tpu.enqueue_dma source(%dma_start3A_63 : memref<80x128xf32, #tpu.memory_space<hbm>>) target(%arg8 : memref<80x128xf32, #tpu.memory_space<vmem>>) target_semaphore(%run_scoped3A : memref<!tpu.dma_semaphore, #tpu.memory_space<semaphore_mem>>)
      %dma_wait3A = arith.constant 0 : i32
      %dma_wait3A_64 = arith.constant 0 : i32
      %dma_wait3A_65 = tpu.memref_slice %arg3[%dma_wait3A, %dma_wait3A_64] : memref<80x128xf32, #tpu.memory_space<hbm>> -> memref<80x128xf32, #tpu.memory_space<hbm>>
      %dma_wait3A_66 = arith.constant 0 : i32
      %dma_wait3A_67 = arith.constant 0 : i32
      %dma_wait3A_68 = tpu.memref_slice %arg3[%dma_wait3A_66, %dma_wait3A_67] : memref<80x128xf32, #tpu.memory_space<hbm>> -> memref<80x128xf32, #tpu.memory_space<hbm>>
      tpu.wait_dma2 semaphore(%run_scoped3A : memref<!tpu.dma_semaphore, #tpu.memory_space<semaphore_mem>>) src(%dma_wait3A_68 : memref<80x128xf32, #tpu.memory_space<hbm>>) dst(%arg8 : memref<80x128xf32, #tpu.memory_space<vmem>>)
      tpu.yield
    }) : () -> ()
    %add3A = arith.constant 0 : i32
    %add3A_1 = arith.addi %mul3A_0, %add3A : i32
    "tpu.region"() ({
      %run_scoped3A = tpu.sem_alloc : memref<!tpu.dma_semaphore, #tpu.memory_space<semaphore_mem>>
      %dma_start3A = arith.constant 0 : i32
      %dma_start3A_59 = tpu.memref_slice %arg9[%add3A_1, %dma_start3A] : memref<10240x128xf32, #tpu.memory_space<vmem_shared>> -> memref<80x128xf32, #tpu.memory_space<vmem_shared>>
      %dma_start3A_60 = arith.constant 0 : i32
      %dma_start3A_61 = tpu.memref_slice %arg9[%add3A_1, %dma_start3A_60] : memref<10240x128xf32, #tpu.memory_space<vmem_shared>> -> memref<80x128xf32, #tpu.memory_space<vmem_shared>>
      tpu.enqueue_dma source(%arg8 : memref<80x128xf32, #tpu.memory_space<vmem>>) target(%dma_start3A_61 : memref<80x128xf32, #tpu.memory_space<vmem_shared>>) target_semaphore(%run_scoped3A : memref<!tpu.dma_semaphore, #tpu.memory_space<semaphore_mem>>)
      %dma_wait3A = arith.constant 0 : i32
      %dma_wait3A_62 = tpu.memref_slice %arg9[%add3A_1, %dma_wait3A] : memref<10240x128xf32, #tpu.memory_space<vmem_shared>> -> memref<80x128xf32, #tpu.memory_space<vmem_shared>>
      %dma_wait3A_63 = arith.constant 0 : i32
      %dma_wait3A_64 = tpu.memref_slice %arg9[%add3A_1, %dma_wait3A_63] : memref<10240x128xf32, #tpu.memory_space<vmem_shared>> -> memref<80x128xf32, #tpu.memory_space<vmem_shared>>
      tpu.wait_dma2 semaphore(%run_scoped3A : memref<!tpu.dma_semaphore, #tpu.memory_space<semaphore_mem>>) src(%arg8 : memref<80x128xf32, #tpu.memory_space<vmem>>) dst(%dma_wait3A_64 : memref<80x128xf32, #tpu.memory_space<vmem_shared>>)
      tpu.yield
    }) : () -> ()
    %add3A_2 = arith.constant 80 : i32
    %add3A_3 = arith.addi %mul3A_0, %add3A_2 : i32
    "tpu.region"() ({
      %run_scoped3A = tpu.sem_alloc : memref<!tpu.dma_semaphore, #tpu.memory_space<semaphore_mem>>
      %dma_start3A = arith.constant 0 : i32
      %dma_start3A_59 = tpu.memref_slice %arg9[%add3A_3, %dma_start3A] : memref<10240x128xf32, #tpu.memory_space<vmem_shared>> -> memref<80x128xf32, #tpu.memory_space<vmem_shared>>
      %dma_start3A_60 = arith.constant 0 : i32
      %dma_start3A_61 = tpu.memref_slice %arg9[%add3A_3, %dma_start3A_60] : memref<10240x128xf32, #tpu.memory_space<vmem_shared>> -> memref<80x128xf32, #tpu.memory_space<vmem_shared>>
      tpu.enqueue_dma source(%arg8 : memref<80x128xf32, #tpu.memory_space<vmem>>) target(%dma_start3A_61 : memref<80x128xf32, #tpu.memory_space<vmem_shared>>) target_semaphore(%run_scoped3A : memref<!tpu.dma_semaphore, #tpu.memory_space<semaphore_mem>>)
      %dma_wait3A = arith.constant 0 : i32
      %dma_wait3A_62 = tpu.memref_slice %arg9[%add3A_3, %dma_wait3A] : memref<10240x128xf32, #tpu.memory_space<vmem_shared>> -> memref<80x128xf32, #tpu.memory_space<vmem_shared>>
      %dma_wait3A_63 = arith.constant 0 : i32
      %dma_wait3A_64 = tpu.memref_slice %arg9[%add3A_3, %dma_wait3A_63] : memref<10240x128xf32, #tpu.memory_space<vmem_shared>> -> memref<80x128xf32, #tpu.memory_space<vmem_shared>>
      tpu.wait_dma2 semaphore(%run_scoped3A : memref<!tpu.dma_semaphore, #tpu.memory_space<semaphore_mem>>) src(%arg8 : memref<80x128xf32, #tpu.memory_space<vmem>>) dst(%dma_wait3A_64 : memref<80x128xf32, #tpu.memory_space<vmem_shared>>)
      tpu.yield
    }) : () -> ()
    %add3A_4 = arith.constant 160 : i32
    %add3A_5 = arith.addi %mul3A_0, %add3A_4 : i32
    "tpu.region"() ({
      %run_scoped3A = tpu.sem_alloc : memref<!tpu.dma_semaphore, #tpu.memory_space<semaphore_mem>>
      %dma_start3A = arith.constant 0 : i32
      %dma_start3A_59 = tpu.memref_slice %arg9[%add3A_5, %dma_start3A] : memref<10240x128xf32, #tpu.memory_space<vmem_shared>> -> memref<80x128xf32, #tpu.memory_space<vmem_shared>>
      %dma_start3A_60 = arith.constant 0 : i32
      %dma_start3A_61 = tpu.memref_slice %arg9[%add3A_5, %dma_start3A_60] : memref<10240x128xf32, #tpu.memory_space<vmem_shared>> -> memref<80x128xf32, #tpu.memory_space<vmem_shared>>
      tpu.enqueue_dma source(%arg8 : memref<80x128xf32, #tpu.memory_space<vmem>>) target(%dma_start3A_61 : memref<80x128xf32, #tpu.memory_space<vmem_shared>>) target_semaphore(%run_scoped3A : memref<!tpu.dma_semaphore, #tpu.memory_space<semaphore_mem>>)
      %dma_wait3A = arith.constant 0 : i32
      %dma_wait3A_62 = tpu.memref_slice %arg9[%add3A_5, %dma_wait3A] : memref<10240x128xf32, #tpu.memory_space<vmem_shared>> -> memref<80x128xf32, #tpu.memory_space<vmem_shared>>
      %dma_wait3A_63 = arith.constant 0 : i32
      %dma_wait3A_64 = tpu.memref_slice %arg9[%add3A_5, %dma_wait3A_63] : memref<10240x128xf32, #tpu.memory_space<vmem_shared>> -> memref<80x128xf32, #tpu.memory_space<vmem_shared>>
      tpu.wait_dma2 semaphore(%run_scoped3A : memref<!tpu.dma_semaphore, #tpu.memory_space<semaphore_mem>>) src(%arg8 : memref<80x128xf32, #tpu.memory_space<vmem>>) dst(%dma_wait3A_64 : memref<80x128xf32, #tpu.memory_space<vmem_shared>>)
      tpu.yield
    }) : () -> ()
    %add3A_6 = arith.constant 240 : i32
    %add3A_7 = arith.addi %mul3A_0, %add3A_6 : i32
    "tpu.region"() ({
      %run_scoped3A = tpu.sem_alloc : memref<!tpu.dma_semaphore, #tpu.memory_space<semaphore_mem>>
      %dma_start3A = arith.constant 0 : i32
      %dma_start3A_59 = tpu.memref_slice %arg9[%add3A_7, %dma_start3A] : memref<10240x128xf32, #tpu.memory_space<vmem_shared>> -> memref<80x128xf32, #tpu.memory_space<vmem_shared>>
      %dma_start3A_60 = arith.constant 0 : i32
      %dma_start3A_61 = tpu.memref_slice %arg9[%add3A_7, %dma_start3A_60] : memref<10240x128xf32, #tpu.memory_space<vmem_shared>> -> memref<80x128xf32, #tpu.memory_space<vmem_shared>>
      tpu.enqueue_dma source(%arg8 : memref<80x128xf32, #tpu.memory_space<vmem>>) target(%dma_start3A_61 : memref<80x128xf32, #tpu.memory_space<vmem_shared>>) target_semaphore(%run_scoped3A : memref<!tpu.dma_semaphore, #tpu.memory_space<semaphore_mem>>)
      %dma_wait3A = arith.constant 0 : i32
      %dma_wait3A_62 = tpu.memref_slice %arg9[%add3A_7, %dma_wait3A] : memref<10240x128xf32, #tpu.memory_space<vmem_shared>> -> memref<80x128xf32, #tpu.memory_space<vmem_shared>>
      %dma_wait3A_63 = arith.constant 0 : i32
      %dma_wait3A_64 = tpu.memref_slice %arg9[%add3A_7, %dma_wait3A_63] : memref<10240x128xf32, #tpu.memory_space<vmem_shared>> -> memref<80x128xf32, #tpu.memory_space<vmem_shared>>
      tpu.wait_dma2 semaphore(%run_scoped3A : memref<!tpu.dma_semaphore, #tpu.memory_space<semaphore_mem>>) src(%arg8 : memref<80x128xf32, #tpu.memory_space<vmem>>) dst(%dma_wait3A_64 : memref<80x128xf32, #tpu.memory_space<vmem_shared>>)
      tpu.yield
    }) : () -> ()
    %add3A_8 = arith.constant 320 : i32
    %add3A_9 = arith.addi %mul3A_0, %add3A_8 : i32
    "tpu.region"() ({
      %run_scoped3A = tpu.sem_alloc : memref<!tpu.dma_semaphore, #tpu.memory_space<semaphore_mem>>
      %dma_start3A = arith.constant 0 : i32
      %dma_start3A_59 = tpu.memref_slice %arg9[%add3A_9, %dma_start3A] : memref<10240x128xf32, #tpu.memory_space<vmem_shared>> -> memref<80x128xf32, #tpu.memory_space<vmem_shared>>
      %dma_start3A_60 = arith.constant 0 : i32
      %dma_start3A_61 = tpu.memref_slice %arg9[%add3A_9, %dma_start3A_60] : memref<10240x128xf32, #tpu.memory_space<vmem_shared>> -> memref<80x128xf32, #tpu.memory_space<vmem_shared>>
      tpu.enqueue_dma source(%arg8 : memref<80x128xf32, #tpu.memory_space<vmem>>) target(%dma_start3A_61 : memref<80x128xf32, #tpu.memory_space<vmem_shared>>) target_semaphore(%run_scoped3A : memref<!tpu.dma_semaphore, #tpu.memory_space<semaphore_mem>>)
      %dma_wait3A = arith.constant 0 : i32
      %dma_wait3A_62 = tpu.memref_slice %arg9[%add3A_9, %dma_wait3A] : memref<10240x128xf32, #tpu.memory_space<vmem_shared>> -> memref<80x128xf32, #tpu.memory_space<vmem_shared>>
      %dma_wait3A_63 = arith.constant 0 : i32
      %dma_wait3A_64 = tpu.memref_slice %arg9[%add3A_9, %dma_wait3A_63] : memref<10240x128xf32, #tpu.memory_space<vmem_shared>> -> memref<80x128xf32, #tpu.memory_space<vmem_shared>>
      tpu.wait_dma2 semaphore(%run_scoped3A : memref<!tpu.dma_semaphore, #tpu.memory_space<semaphore_mem>>) src(%arg8 : memref<80x128xf32, #tpu.memory_space<vmem>>) dst(%dma_wait3A_64 : memref<80x128xf32, #tpu.memory_space<vmem_shared>>)
      tpu.yield
    }) : () -> ()
    %add3A_10 = arith.constant 400 : i32
    %add3A_11 = arith.addi %mul3A_0, %add3A_10 : i32
    "tpu.region"() ({
      %run_scoped3A = tpu.sem_alloc : memref<!tpu.dma_semaphore, #tpu.memory_space<semaphore_mem>>
      %dma_start3A = arith.constant 0 : i32
      %dma_start3A_59 = tpu.memref_slice %arg9[%add3A_11, %dma_start3A] : memref<10240x128xf32, #tpu.memory_space<vmem_shared>> -> memref<80x128xf32, #tpu.memory_space<vmem_shared>>
      %dma_start3A_60 = arith.constant 0 : i32
      %dma_start3A_61 = tpu.memref_slice %arg9[%add3A_11, %dma_start3A_60] : memref<10240x128xf32, #tpu.memory_space<vmem_shared>> -> memref<80x128xf32, #tpu.memory_space<vmem_shared>>
      tpu.enqueue_dma source(%arg8 : memref<80x128xf32, #tpu.memory_space<vmem>>) target(%dma_start3A_61 : memref<80x128xf32, #tpu.memory_space<vmem_shared>>) target_semaphore(%run_scoped3A : memref<!tpu.dma_semaphore, #tpu.memory_space<semaphore_mem>>)
      %dma_wait3A = arith.constant 0 : i32
      %dma_wait3A_62 = tpu.memref_slice %arg9[%add3A_11, %dma_wait3A] : memref<10240x128xf32, #tpu.memory_space<vmem_shared>> -> memref<80x128xf32, #tpu.memory_space<vmem_shared>>
      %dma_wait3A_63 = arith.constant 0 : i32
      %dma_wait3A_64 = tpu.memref_slice %arg9[%add3A_11, %dma_wait3A_63] : memref<10240x128xf32, #tpu.memory_space<vmem_shared>> -> memref<80x128xf32, #tpu.memory_space<vmem_shared>>
      tpu.wait_dma2 semaphore(%run_scoped3A : memref<!tpu.dma_semaphore, #tpu.memory_space<semaphore_mem>>) src(%arg8 : memref<80x128xf32, #tpu.memory_space<vmem>>) dst(%dma_wait3A_64 : memref<80x128xf32, #tpu.memory_space<vmem_shared>>)
      tpu.yield
    }) : () -> ()
    %add3A_12 = arith.constant 480 : i32
    %add3A_13 = arith.addi %mul3A_0, %add3A_12 : i32
    "tpu.region"() ({
      %run_scoped3A = tpu.sem_alloc : memref<!tpu.dma_semaphore, #tpu.memory_space<semaphore_mem>>
      %dma_start3A = arith.constant 0 : i32
      %dma_start3A_59 = tpu.memref_slice %arg9[%add3A_13, %dma_start3A] : memref<10240x128xf32, #tpu.memory_space<vmem_shared>> -> memref<80x128xf32, #tpu.memory_space<vmem_shared>>
      %dma_start3A_60 = arith.constant 0 : i32
      %dma_start3A_61 = tpu.memref_slice %arg9[%add3A_13, %dma_start3A_60] : memref<10240x128xf32, #tpu.memory_space<vmem_shared>> -> memref<80x128xf32, #tpu.memory_space<vmem_shared>>
      tpu.enqueue_dma source(%arg8 : memref<80x128xf32, #tpu.memory_space<vmem>>) target(%dma_start3A_61 : memref<80x128xf32, #tpu.memory_space<vmem_shared>>) target_semaphore(%run_scoped3A : memref<!tpu.dma_semaphore, #tpu.memory_space<semaphore_mem>>)
      %dma_wait3A = arith.constant 0 : i32
      %dma_wait3A_62 = tpu.memref_slice %arg9[%add3A_13, %dma_wait3A] : memref<10240x128xf32, #tpu.memory_space<vmem_shared>> -> memref<80x128xf32, #tpu.memory_space<vmem_shared>>
      %dma_wait3A_63 = arith.constant 0 : i32
      %dma_wait3A_64 = tpu.memref_slice %arg9[%add3A_13, %dma_wait3A_63] : memref<10240x128xf32, #tpu.memory_space<vmem_shared>> -> memref<80x128xf32, #tpu.memory_space<vmem_shared>>
      tpu.wait_dma2 semaphore(%run_scoped3A : memref<!tpu.dma_semaphore, #tpu.memory_space<semaphore_mem>>) src(%arg8 : memref<80x128xf32, #tpu.memory_space<vmem>>) dst(%dma_wait3A_64 : memref<80x128xf32, #tpu.memory_space<vmem_shared>>)
      tpu.yield
    }) : () -> ()
    %add3A_14 = arith.constant 560 : i32
    %add3A_15 = arith.addi %mul3A_0, %add3A_14 : i32
    "tpu.region"() ({
      %run_scoped3A = tpu.sem_alloc : memref<!tpu.dma_semaphore, #tpu.memory_space<semaphore_mem>>
      %dma_start3A = arith.constant 0 : i32
      %dma_start3A_59 = tpu.memref_slice %arg9[%add3A_15, %dma_start3A] : memref<10240x128xf32, #tpu.memory_space<vmem_shared>> -> memref<80x128xf32, #tpu.memory_space<vmem_shared>>
      %dma_start3A_60 = arith.constant 0 : i32
      %dma_start3A_61 = tpu.memref_slice %arg9[%add3A_15, %dma_start3A_60] : memref<10240x128xf32, #tpu.memory_space<vmem_shared>> -> memref<80x128xf32, #tpu.memory_space<vmem_shared>>
      tpu.enqueue_dma source(%arg8 : memref<80x128xf32, #tpu.memory_space<vmem>>) target(%dma_start3A_61 : memref<80x128xf32, #tpu.memory_space<vmem_shared>>) target_semaphore(%run_scoped3A : memref<!tpu.dma_semaphore, #tpu.memory_space<semaphore_mem>>)
      %dma_wait3A = arith.constant 0 : i32
      %dma_wait3A_62 = tpu.memref_slice %arg9[%add3A_15, %dma_wait3A] : memref<10240x128xf32, #tpu.memory_space<vmem_shared>> -> memref<80x128xf32, #tpu.memory_space<vmem_shared>>
      %dma_wait3A_63 = arith.constant 0 : i32
      %dma_wait3A_64 = tpu.memref_slice %arg9[%add3A_15, %dma_wait3A_63] : memref<10240x128xf32, #tpu.memory_space<vmem_shared>> -> memref<80x128xf32, #tpu.memory_space<vmem_shared>>
      tpu.wait_dma2 semaphore(%run_scoped3A : memref<!tpu.dma_semaphore, #tpu.memory_space<semaphore_mem>>) src(%arg8 : memref<80x128xf32, #tpu.memory_space<vmem>>) dst(%dma_wait3A_64 : memref<80x128xf32, #tpu.memory_space<vmem_shared>>)
      tpu.yield
    }) : () -> ()
    "tpu.region"() ({
      %run_scoped3A = tpu.sem_alloc : memref<!tpu.dma_semaphore, #tpu.memory_space<semaphore_mem>>
      tpu.enqueue_dma source(%arg4 : memref<112x128xf32, #tpu.memory_space<hbm>>) target(%arg7 : memref<112x128xf32, #tpu.memory_space<vmem>>) target_semaphore(%run_scoped3A : memref<!tpu.dma_semaphore, #tpu.memory_space<semaphore_mem>>)
      tpu.wait_dma2 semaphore(%run_scoped3A : memref<!tpu.dma_semaphore, #tpu.memory_space<semaphore_mem>>) src(%arg4 : memref<112x128xf32, #tpu.memory_space<hbm>>) dst(%arg7 : memref<112x128xf32, #tpu.memory_space<vmem>>)
      tpu.yield
    }) : () -> ()
    %barrier3A = arith.constant 0 : index
    tpu.barrier barrier_id(%barrier3A)
    %mul3A_16 = arith.constant 16 : i32
    %mul3A_17 = arith.muli %arg0, %mul3A_16 : i32
    %add3A_18 = arith.addi %mul3A_17, %arg1 : i32
    %mul3A_19 = arith.constant 10080 : i32
    %mul3A_20 = arith.muli %add3A_18, %mul3A_19 : i32
    %scan3A = arith.constant 0 : i32
    %scan3A_21 = arith.constant 0 : i32
    %scan3A_22 = arith.constant 90 : i32
    %scan3A_23 = arith.addi %scan3A_21, %scan3A_22 : i32
    %scan3A_24 = arith.constant 1 : i32
    scf.for %scan3A_59 = %scan3A_21 to %scan3A_23 step %scan3A_24  : i32 {
      %mul3A_60 = arith.constant 112 : i32
      %mul3A_61 = arith.muli %scan3A_59, %mul3A_60 : i32
      %add3A_62 = arith.addi %mul3A_20, %mul3A_61 : i32
      "tpu.region"() ({
        %run_scoped3A = tpu.sem_alloc : memref<!tpu.dma_semaphore, #tpu.memory_space<semaphore_mem>>
        %dma_start3A = tpu.memref_slice %arg2[%add3A_62] : memref<322560xi32, #tpu.memory_space<hbm>> -> memref<112xi32, #tpu.memory_space<hbm>>
        %dma_start3A_63 = tpu.memref_slice %arg2[%add3A_62] : memref<322560xi32, #tpu.memory_space<hbm>> -> memref<112xi32, #tpu.memory_space<hbm>>
        tpu.enqueue_dma source(%dma_start3A_63 : memref<112xi32, #tpu.memory_space<hbm>>) target(%arg6 : memref<112xi32, #tpu.memory_space<vmem>>) target_semaphore(%run_scoped3A : memref<!tpu.dma_semaphore, #tpu.memory_space<semaphore_mem>>)
        %dma_wait3A = tpu.memref_slice %arg2[%add3A_62] : memref<322560xi32, #tpu.memory_space<hbm>> -> memref<112xi32, #tpu.memory_space<hbm>>
        %dma_wait3A_64 = tpu.memref_slice %arg2[%add3A_62] : memref<322560xi32, #tpu.memory_space<hbm>> -> memref<112xi32, #tpu.memory_space<hbm>>
        tpu.wait_dma2 semaphore(%run_scoped3A : memref<!tpu.dma_semaphore, #tpu.memory_space<semaphore_mem>>) src(%dma_wait3A_64 : memref<112xi32, #tpu.memory_space<hbm>>) dst(%arg6 : memref<112xi32, #tpu.memory_space<vmem>>)
        tpu.yield
      }) : () -> ()
      "tpu.region"() ({
        %run_scoped3A = tpu.sem_alloc : memref<!tpu.dma_semaphore, #tpu.memory_space<semaphore_mem>>
        %dma_start3A = arith.constant 0 : i32
        %dma_start3A_63 = arith.constant 0 : i32
        %dma_start3A_64 = tpu.memref_slice %arg9[%dma_start3A, %dma_start3A_63] : memref<10240x128xf32, #tpu.memory_space<vmem_shared>> -> memref<10240x128xf32, #tpu.memory_space<vmem_shared>>
        tpu.enqueue_indirect_dma source(%arg7 : memref<112x128xf32, #tpu.memory_space<vmem>>) target(%dma_start3A_64 : memref<10240x128xf32, #tpu.memory_space<vmem_shared>>) offsets(%arg6 : memref<112xi32, #tpu.memory_space<vmem>>) semaphore(%run_scoped3A : memref<!tpu.dma_semaphore, #tpu.memory_space<semaphore_mem>>) {add = true}
        %dma_wait3A = arith.constant 0 : i32
        %dma_wait3A_65 = arith.constant 0 : i32
        %dma_wait3A_66 = tpu.memref_slice %arg9[%dma_wait3A, %dma_wait3A_65] : memref<10240x128xf32, #tpu.memory_space<vmem_shared>> -> memref<10240x128xf32, #tpu.memory_space<vmem_shared>>
        tpu.wait_indirect_dma semaphore(%run_scoped3A : memref<!tpu.dma_semaphore, #tpu.memory_space<semaphore_mem>>) src(%arg7 : memref<112x128xf32, #tpu.memory_space<vmem>>) dst(%dma_wait3A_66 : memref<10240x128xf32, #tpu.memory_space<vmem_shared>>)
        tpu.yield
      }) : () -> ()
    }
    %scan3A_25 = arith.constant 90 : i32
    %barrier3A_26 = arith.constant 0 : index
    tpu.barrier barrier_id(%barrier3A_26)
    %add3A_27 = arith.constant 0 : i32
    %add3A_28 = arith.addi %mul3A_0, %add3A_27 : i32
    "tpu.region"() ({
      %run_scoped3A = tpu.sem_alloc : memref<!tpu.dma_semaphore, #tpu.memory_space<semaphore_mem>>
      %dma_start3A = arith.constant 0 : i32
      %dma_start3A_59 = tpu.memref_slice %arg9[%add3A_28, %dma_start3A] : memref<10240x128xf32, #tpu.memory_space<vmem_shared>> -> memref<80x128xf32, #tpu.memory_space<vmem_shared>>
      %dma_start3A_60 = arith.constant 0 : i32
      %dma_start3A_61 = tpu.memref_slice %arg9[%add3A_28, %dma_start3A_60] : memref<10240x128xf32, #tpu.memory_space<vmem_shared>> -> memref<80x128xf32, #tpu.memory_space<vmem_shared>>
      tpu.enqueue_dma source(%dma_start3A_61 : memref<80x128xf32, #tpu.memory_space<vmem_shared>>) target(%arg8 : memref<80x128xf32, #tpu.memory_space<vmem>>) target_semaphore(%run_scoped3A : memref<!tpu.dma_semaphore, #tpu.memory_space<semaphore_mem>>)
      %dma_wait3A = arith.constant 0 : i32
      %dma_wait3A_62 = tpu.memref_slice %arg9[%add3A_28, %dma_wait3A] : memref<10240x128xf32, #tpu.memory_space<vmem_shared>> -> memref<80x128xf32, #tpu.memory_space<vmem_shared>>
      %dma_wait3A_63 = arith.constant 0 : i32
      %dma_wait3A_64 = tpu.memref_slice %arg9[%add3A_28, %dma_wait3A_63] : memref<10240x128xf32, #tpu.memory_space<vmem_shared>> -> memref<80x128xf32, #tpu.memory_space<vmem_shared>>
      tpu.wait_dma2 semaphore(%run_scoped3A : memref<!tpu.dma_semaphore, #tpu.memory_space<semaphore_mem>>) src(%dma_wait3A_64 : memref<80x128xf32, #tpu.memory_space<vmem_shared>>) dst(%arg8 : memref<80x128xf32, #tpu.memory_space<vmem>>)
      tpu.yield
    }) : () -> ()
    %add3A_29 = arith.constant 0 : i32
    %add3A_30 = arith.addi %mul3A_0, %add3A_29 : i32
    "tpu.region"() ({
      %run_scoped3A = tpu.sem_alloc : memref<!tpu.dma_semaphore, #tpu.memory_space<semaphore_mem>>
      %dma_start3A = arith.constant 0 : i32
      %dma_start3A_59 = tpu.memref_slice %arg5[%arg0, %add3A_30, %dma_start3A] : memref<2x10240x128xf32, #tpu.memory_space<hbm>> -> memref<1x80x128xf32, #tpu.memory_space<hbm>>
      %dma_start3A_60 = tpu.memref_squeeze %dma_start3A_59 : memref<1x80x128xf32, #tpu.memory_space<hbm>> -> memref<80x128xf32, #tpu.memory_space<hbm>>
      %dma_start3A_61 = arith.constant 0 : i32
      %dma_start3A_62 = tpu.memref_slice %arg5[%arg0, %add3A_30, %dma_start3A_61] : memref<2x10240x128xf32, #tpu.memory_space<hbm>> -> memref<1x80x128xf32, #tpu.memory_space<hbm>>
      %dma_start3A_63 = tpu.memref_squeeze %dma_start3A_62 : memref<1x80x128xf32, #tpu.memory_space<hbm>> -> memref<80x128xf32, #tpu.memory_space<hbm>>
      tpu.enqueue_dma source(%arg8 : memref<80x128xf32, #tpu.memory_space<vmem>>) target(%dma_start3A_63 : memref<80x128xf32, #tpu.memory_space<hbm>>) target_semaphore(%run_scoped3A : memref<!tpu.dma_semaphore, #tpu.memory_space<semaphore_mem>>)
      %dma_wait3A = arith.constant 0 : i32
      %dma_wait3A_64 = tpu.memref_slice %arg5[%arg0, %add3A_30, %dma_wait3A] : memref<2x10240x128xf32, #tpu.memory_space<hbm>> -> memref<1x80x128xf32, #tpu.memory_space<hbm>>
      %dma_wait3A_65 = tpu.memref_squeeze %dma_wait3A_64 : memref<1x80x128xf32, #tpu.memory_space<hbm>> -> memref<80x128xf32, #tpu.memory_space<hbm>>
      %dma_wait3A_66 = arith.constant 0 : i32
      %dma_wait3A_67 = tpu.memref_slice %arg5[%arg0, %add3A_30, %dma_wait3A_66] : memref<2x10240x128xf32, #tpu.memory_space<hbm>> -> memref<1x80x128xf32, #tpu.memory_space<hbm>>
      %dma_wait3A_68 = tpu.memref_squeeze %dma_wait3A_67 : memref<1x80x128xf32, #tpu.memory_space<hbm>> -> memref<80x128xf32, #tpu.memory_space<hbm>>
      tpu.wait_dma2 semaphore(%run_scoped3A : memref<!tpu.dma_semaphore, #tpu.memory_space<semaphore_mem>>) src(%arg8 : memref<80x128xf32, #tpu.memory_space<vmem>>) dst(%dma_wait3A_68 : memref<80x128xf32, #tpu.memory_space<hbm>>)
      tpu.yield
    }) : () -> ()
    %add3A_31 = arith.constant 80 : i32
    %add3A_32 = arith.addi %mul3A_0, %add3A_31 : i32
    "tpu.region"() ({
      %run_scoped3A = tpu.sem_alloc : memref<!tpu.dma_semaphore, #tpu.memory_space<semaphore_mem>>
      %dma_start3A = arith.constant 0 : i32
      %dma_start3A_59 = tpu.memref_slice %arg9[%add3A_32, %dma_start3A] : memref<10240x128xf32, #tpu.memory_space<vmem_shared>> -> memref<80x128xf32, #tpu.memory_space<vmem_shared>>
      %dma_start3A_60 = arith.constant 0 : i32
      %dma_start3A_61 = tpu.memref_slice %arg9[%add3A_32, %dma_start3A_60] : memref<10240x128xf32, #tpu.memory_space<vmem_shared>> -> memref<80x128xf32, #tpu.memory_space<vmem_shared>>
      tpu.enqueue_dma source(%dma_start3A_61 : memref<80x128xf32, #tpu.memory_space<vmem_shared>>) target(%arg8 : memref<80x128xf32, #tpu.memory_space<vmem>>) target_semaphore(%run_scoped3A : memref<!tpu.dma_semaphore, #tpu.memory_space<semaphore_mem>>)
      %dma_wait3A = arith.constant 0 : i32
      %dma_wait3A_62 = tpu.memref_slice %arg9[%add3A_32, %dma_wait3A] : memref<10240x128xf32, #tpu.memory_space<vmem_shared>> -> memref<80x128xf32, #tpu.memory_space<vmem_shared>>
      %dma_wait3A_63 = arith.constant 0 : i32
      %dma_wait3A_64 = tpu.memref_slice %arg9[%add3A_32, %dma_wait3A_63] : memref<10240x128xf32, #tpu.memory_space<vmem_shared>> -> memref<80x128xf32, #tpu.memory_space<vmem_shared>>
      tpu.wait_dma2 semaphore(%run_scoped3A : memref<!tpu.dma_semaphore, #tpu.memory_space<semaphore_mem>>) src(%dma_wait3A_64 : memref<80x128xf32, #tpu.memory_space<vmem_shared>>) dst(%arg8 : memref<80x128xf32, #tpu.memory_space<vmem>>)
      tpu.yield
    }) : () -> ()
    %add3A_33 = arith.constant 80 : i32
    %add3A_34 = arith.addi %mul3A_0, %add3A_33 : i32
    "tpu.region"() ({
      %run_scoped3A = tpu.sem_alloc : memref<!tpu.dma_semaphore, #tpu.memory_space<semaphore_mem>>
      %dma_start3A = arith.constant 0 : i32
      %dma_start3A_59 = tpu.memref_slice %arg5[%arg0, %add3A_34, %dma_start3A] : memref<2x10240x128xf32, #tpu.memory_space<hbm>> -> memref<1x80x128xf32, #tpu.memory_space<hbm>>
      %dma_start3A_60 = tpu.memref_squeeze %dma_start3A_59 : memref<1x80x128xf32, #tpu.memory_space<hbm>> -> memref<80x128xf32, #tpu.memory_space<hbm>>
      %dma_start3A_61 = arith.constant 0 : i32
      %dma_start3A_62 = tpu.memref_slice %arg5[%arg0, %add3A_34, %dma_start3A_61] : memref<2x10240x128xf32, #tpu.memory_space<hbm>> -> memref<1x80x128xf32, #tpu.memory_space<hbm>>
      %dma_start3A_63 = tpu.memref_squeeze %dma_start3A_62 : memref<1x80x128xf32, #tpu.memory_space<hbm>> -> memref<80x128xf32, #tpu.memory_space<hbm>>
      tpu.enqueue_dma source(%arg8 : memref<80x128xf32, #tpu.memory_space<vmem>>) target(%dma_start3A_63 : memref<80x128xf32, #tpu.memory_space<hbm>>) target_semaphore(%run_scoped3A : memref<!tpu.dma_semaphore, #tpu.memory_space<semaphore_mem>>)
      %dma_wait3A = arith.constant 0 : i32
      %dma_wait3A_64 = tpu.memref_slice %arg5[%arg0, %add3A_34, %dma_wait3A] : memref<2x10240x128xf32, #tpu.memory_space<hbm>> -> memref<1x80x128xf32, #tpu.memory_space<hbm>>
      %dma_wait3A_65 = tpu.memref_squeeze %dma_wait3A_64 : memref<1x80x128xf32, #tpu.memory_space<hbm>> -> memref<80x128xf32, #tpu.memory_space<hbm>>
      %dma_wait3A_66 = arith.constant 0 : i32
      %dma_wait3A_67 = tpu.memref_slice %arg5[%arg0, %add3A_34, %dma_wait3A_66] : memref<2x10240x128xf32, #tpu.memory_space<hbm>> -> memref<1x80x128xf32, #tpu.memory_space<hbm>>
      %dma_wait3A_68 = tpu.memref_squeeze %dma_wait3A_67 : memref<1x80x128xf32, #tpu.memory_space<hbm>> -> memref<80x128xf32, #tpu.memory_space<hbm>>
      tpu.wait_dma2 semaphore(%run_scoped3A : memref<!tpu.dma_semaphore, #tpu.memory_space<semaphore_mem>>) src(%arg8 : memref<80x128xf32, #tpu.memory_space<vmem>>) dst(%dma_wait3A_68 : memref<80x128xf32, #tpu.memory_space<hbm>>)
      tpu.yield
    }) : () -> ()
    %add3A_35 = arith.constant 160 : i32
    %add3A_36 = arith.addi %mul3A_0, %add3A_35 : i32
    "tpu.region"() ({
      %run_scoped3A = tpu.sem_alloc : memref<!tpu.dma_semaphore, #tpu.memory_space<semaphore_mem>>
      %dma_start3A = arith.constant 0 : i32
      %dma_start3A_59 = tpu.memref_slice %arg9[%add3A_36, %dma_start3A] : memref<10240x128xf32, #tpu.memory_space<vmem_shared>> -> memref<80x128xf32, #tpu.memory_space<vmem_shared>>
      %dma_start3A_60 = arith.constant 0 : i32
      %dma_start3A_61 = tpu.memref_slice %arg9[%add3A_36, %dma_start3A_60] : memref<10240x128xf32, #tpu.memory_space<vmem_shared>> -> memref<80x128xf32, #tpu.memory_space<vmem_shared>>
      tpu.enqueue_dma source(%dma_start3A_61 : memref<80x128xf32, #tpu.memory_space<vmem_shared>>) target(%arg8 : memref<80x128xf32, #tpu.memory_space<vmem>>) target_semaphore(%run_scoped3A : memref<!tpu.dma_semaphore, #tpu.memory_space<semaphore_mem>>)
      %dma_wait3A = arith.constant 0 : i32
      %dma_wait3A_62 = tpu.memref_slice %arg9[%add3A_36, %dma_wait3A] : memref<10240x128xf32, #tpu.memory_space<vmem_shared>> -> memref<80x128xf32, #tpu.memory_space<vmem_shared>>
      %dma_wait3A_63 = arith.constant 0 : i32
      %dma_wait3A_64 = tpu.memref_slice %arg9[%add3A_36, %dma_wait3A_63] : memref<10240x128xf32, #tpu.memory_space<vmem_shared>> -> memref<80x128xf32, #tpu.memory_space<vmem_shared>>
      tpu.wait_dma2 semaphore(%run_scoped3A : memref<!tpu.dma_semaphore, #tpu.memory_space<semaphore_mem>>) src(%dma_wait3A_64 : memref<80x128xf32, #tpu.memory_space<vmem_shared>>) dst(%arg8 : memref<80x128xf32, #tpu.memory_space<vmem>>)
      tpu.yield
    }) : () -> ()
    %add3A_37 = arith.constant 160 : i32
    %add3A_38 = arith.addi %mul3A_0, %add3A_37 : i32
    "tpu.region"() ({
      %run_scoped3A = tpu.sem_alloc : memref<!tpu.dma_semaphore, #tpu.memory_space<semaphore_mem>>
      %dma_start3A = arith.constant 0 : i32
      %dma_start3A_59 = tpu.memref_slice %arg5[%arg0, %add3A_38, %dma_start3A] : memref<2x10240x128xf32, #tpu.memory_space<hbm>> -> memref<1x80x128xf32, #tpu.memory_space<hbm>>
      %dma_start3A_60 = tpu.memref_squeeze %dma_start3A_59 : memref<1x80x128xf32, #tpu.memory_space<hbm>> -> memref<80x128xf32, #tpu.memory_space<hbm>>
      %dma_start3A_61 = arith.constant 0 : i32
      %dma_start3A_62 = tpu.memref_slice %arg5[%arg0, %add3A_38, %dma_start3A_61] : memref<2x10240x128xf32, #tpu.memory_space<hbm>> -> memref<1x80x128xf32, #tpu.memory_space<hbm>>
      %dma_start3A_63 = tpu.memref_squeeze %dma_start3A_62 : memref<1x80x128xf32, #tpu.memory_space<hbm>> -> memref<80x128xf32, #tpu.memory_space<hbm>>
      tpu.enqueue_dma source(%arg8 : memref<80x128xf32, #tpu.memory_space<vmem>>) target(%dma_start3A_63 : memref<80x128xf32, #tpu.memory_space<hbm>>) target_semaphore(%run_scoped3A : memref<!tpu.dma_semaphore, #tpu.memory_space<semaphore_mem>>)
      %dma_wait3A = arith.constant 0 : i32
      %dma_wait3A_64 = tpu.memref_slice %arg5[%arg0, %add3A_38, %dma_wait3A] : memref<2x10240x128xf32, #tpu.memory_space<hbm>> -> memref<1x80x128xf32, #tpu.memory_space<hbm>>
      %dma_wait3A_65 = tpu.memref_squeeze %dma_wait3A_64 : memref<1x80x128xf32, #tpu.memory_space<hbm>> -> memref<80x128xf32, #tpu.memory_space<hbm>>
      %dma_wait3A_66 = arith.constant 0 : i32
      %dma_wait3A_67 = tpu.memref_slice %arg5[%arg0, %add3A_38, %dma_wait3A_66] : memref<2x10240x128xf32, #tpu.memory_space<hbm>> -> memref<1x80x128xf32, #tpu.memory_space<hbm>>
      %dma_wait3A_68 = tpu.memref_squeeze %dma_wait3A_67 : memref<1x80x128xf32, #tpu.memory_space<hbm>> -> memref<80x128xf32, #tpu.memory_space<hbm>>
      tpu.wait_dma2 semaphore(%run_scoped3A : memref<!tpu.dma_semaphore, #tpu.memory_space<semaphore_mem>>) src(%arg8 : memref<80x128xf32, #tpu.memory_space<vmem>>) dst(%dma_wait3A_68 : memref<80x128xf32, #tpu.memory_space<hbm>>)
      tpu.yield
    }) : () -> ()
    %add3A_39 = arith.constant 240 : i32
    %add3A_40 = arith.addi %mul3A_0, %add3A_39 : i32
    "tpu.region"() ({
      %run_scoped3A = tpu.sem_alloc : memref<!tpu.dma_semaphore, #tpu.memory_space<semaphore_mem>>
      %dma_start3A = arith.constant 0 : i32
      %dma_start3A_59 = tpu.memref_slice %arg9[%add3A_40, %dma_start3A] : memref<10240x128xf32, #tpu.memory_space<vmem_shared>> -> memref<80x128xf32, #tpu.memory_space<vmem_shared>>
      %dma_start3A_60 = arith.constant 0 : i32
      %dma_start3A_61 = tpu.memref_slice %arg9[%add3A_40, %dma_start3A_60] : memref<10240x128xf32, #tpu.memory_space<vmem_shared>> -> memref<80x128xf32, #tpu.memory_space<vmem_shared>>
      tpu.enqueue_dma source(%dma_start3A_61 : memref<80x128xf32, #tpu.memory_space<vmem_shared>>) target(%arg8 : memref<80x128xf32, #tpu.memory_space<vmem>>) target_semaphore(%run_scoped3A : memref<!tpu.dma_semaphore, #tpu.memory_space<semaphore_mem>>)
      %dma_wait3A = arith.constant 0 : i32
      %dma_wait3A_62 = tpu.memref_slice %arg9[%add3A_40, %dma_wait3A] : memref<10240x128xf32, #tpu.memory_space<vmem_shared>> -> memref<80x128xf32, #tpu.memory_space<vmem_shared>>
      %dma_wait3A_63 = arith.constant 0 : i32
      %dma_wait3A_64 = tpu.memref_slice %arg9[%add3A_40, %dma_wait3A_63] : memref<10240x128xf32, #tpu.memory_space<vmem_shared>> -> memref<80x128xf32, #tpu.memory_space<vmem_shared>>
      tpu.wait_dma2 semaphore(%run_scoped3A : memref<!tpu.dma_semaphore, #tpu.memory_space<semaphore_mem>>) src(%dma_wait3A_64 : memref<80x128xf32, #tpu.memory_space<vmem_shared>>) dst(%arg8 : memref<80x128xf32, #tpu.memory_space<vmem>>)
      tpu.yield
    }) : () -> ()
    %add3A_41 = arith.constant 240 : i32
    %add3A_42 = arith.addi %mul3A_0, %add3A_41 : i32
    "tpu.region"() ({
      %run_scoped3A = tpu.sem_alloc : memref<!tpu.dma_semaphore, #tpu.memory_space<semaphore_mem>>
      %dma_start3A = arith.constant 0 : i32
      %dma_start3A_59 = tpu.memref_slice %arg5[%arg0, %add3A_42, %dma_start3A] : memref<2x10240x128xf32, #tpu.memory_space<hbm>> -> memref<1x80x128xf32, #tpu.memory_space<hbm>>
      %dma_start3A_60 = tpu.memref_squeeze %dma_start3A_59 : memref<1x80x128xf32, #tpu.memory_space<hbm>> -> memref<80x128xf32, #tpu.memory_space<hbm>>
      %dma_start3A_61 = arith.constant 0 : i32
      %dma_start3A_62 = tpu.memref_slice %arg5[%arg0, %add3A_42, %dma_start3A_61] : memref<2x10240x128xf32, #tpu.memory_space<hbm>> -> memref<1x80x128xf32, #tpu.memory_space<hbm>>
      %dma_start3A_63 = tpu.memref_squeeze %dma_start3A_62 : memref<1x80x128xf32, #tpu.memory_space<hbm>> -> memref<80x128xf32, #tpu.memory_space<hbm>>
      tpu.enqueue_dma source(%arg8 : memref<80x128xf32, #tpu.memory_space<vmem>>) target(%dma_start3A_63 : memref<80x128xf32, #tpu.memory_space<hbm>>) target_semaphore(%run_scoped3A : memref<!tpu.dma_semaphore, #tpu.memory_space<semaphore_mem>>)
      %dma_wait3A = arith.constant 0 : i32
      %dma_wait3A_64 = tpu.memref_slice %arg5[%arg0, %add3A_42, %dma_wait3A] : memref<2x10240x128xf32, #tpu.memory_space<hbm>> -> memref<1x80x128xf32, #tpu.memory_space<hbm>>
      %dma_wait3A_65 = tpu.memref_squeeze %dma_wait3A_64 : memref<1x80x128xf32, #tpu.memory_space<hbm>> -> memref<80x128xf32, #tpu.memory_space<hbm>>
      %dma_wait3A_66 = arith.constant 0 : i32
      %dma_wait3A_67 = tpu.memref_slice %arg5[%arg0, %add3A_42, %dma_wait3A_66] : memref<2x10240x128xf32, #tpu.memory_space<hbm>> -> memref<1x80x128xf32, #tpu.memory_space<hbm>>
      %dma_wait3A_68 = tpu.memref_squeeze %dma_wait3A_67 : memref<1x80x128xf32, #tpu.memory_space<hbm>> -> memref<80x128xf32, #tpu.memory_space<hbm>>
      tpu.wait_dma2 semaphore(%run_scoped3A : memref<!tpu.dma_semaphore, #tpu.memory_space<semaphore_mem>>) src(%arg8 : memref<80x128xf32, #tpu.memory_space<vmem>>) dst(%dma_wait3A_68 : memref<80x128xf32, #tpu.memory_space<hbm>>)
      tpu.yield
    }) : () -> ()
    %add3A_43 = arith.constant 320 : i32
    %add3A_44 = arith.addi %mul3A_0, %add3A_43 : i32
    "tpu.region"() ({
      %run_scoped3A = tpu.sem_alloc : memref<!tpu.dma_semaphore, #tpu.memory_space<semaphore_mem>>
      %dma_start3A = arith.constant 0 : i32
      %dma_start3A_59 = tpu.memref_slice %arg9[%add3A_44, %dma_start3A] : memref<10240x128xf32, #tpu.memory_space<vmem_shared>> -> memref<80x128xf32, #tpu.memory_space<vmem_shared>>
      %dma_start3A_60 = arith.constant 0 : i32
      %dma_start3A_61 = tpu.memref_slice %arg9[%add3A_44, %dma_start3A_60] : memref<10240x128xf32, #tpu.memory_space<vmem_shared>> -> memref<80x128xf32, #tpu.memory_space<vmem_shared>>
      tpu.enqueue_dma source(%dma_start3A_61 : memref<80x128xf32, #tpu.memory_space<vmem_shared>>) target(%arg8 : memref<80x128xf32, #tpu.memory_space<vmem>>) target_semaphore(%run_scoped3A : memref<!tpu.dma_semaphore, #tpu.memory_space<semaphore_mem>>)
      %dma_wait3A = arith.constant 0 : i32
      %dma_wait3A_62 = tpu.memref_slice %arg9[%add3A_44, %dma_wait3A] : memref<10240x128xf32, #tpu.memory_space<vmem_shared>> -> memref<80x128xf32, #tpu.memory_space<vmem_shared>>
      %dma_wait3A_63 = arith.constant 0 : i32
      %dma_wait3A_64 = tpu.memref_slice %arg9[%add3A_44, %dma_wait3A_63] : memref<10240x128xf32, #tpu.memory_space<vmem_shared>> -> memref<80x128xf32, #tpu.memory_space<vmem_shared>>
      tpu.wait_dma2 semaphore(%run_scoped3A : memref<!tpu.dma_semaphore, #tpu.memory_space<semaphore_mem>>) src(%dma_wait3A_64 : memref<80x128xf32, #tpu.memory_space<vmem_shared>>) dst(%arg8 : memref<80x128xf32, #tpu.memory_space<vmem>>)
      tpu.yield
    }) : () -> ()
    %add3A_45 = arith.constant 320 : i32
    %add3A_46 = arith.addi %mul3A_0, %add3A_45 : i32
    "tpu.region"() ({
      %run_scoped3A = tpu.sem_alloc : memref<!tpu.dma_semaphore, #tpu.memory_space<semaphore_mem>>
      %dma_start3A = arith.constant 0 : i32
      %dma_start3A_59 = tpu.memref_slice %arg5[%arg0, %add3A_46, %dma_start3A] : memref<2x10240x128xf32, #tpu.memory_space<hbm>> -> memref<1x80x128xf32, #tpu.memory_space<hbm>>
      %dma_start3A_60 = tpu.memref_squeeze %dma_start3A_59 : memref<1x80x128xf32, #tpu.memory_space<hbm>> -> memref<80x128xf32, #tpu.memory_space<hbm>>
      %dma_start3A_61 = arith.constant 0 : i32
      %dma_start3A_62 = tpu.memref_slice %arg5[%arg0, %add3A_46, %dma_start3A_61] : memref<2x10240x128xf32, #tpu.memory_space<hbm>> -> memref<1x80x128xf32, #tpu.memory_space<hbm>>
      %dma_start3A_63 = tpu.memref_squeeze %dma_start3A_62 : memref<1x80x128xf32, #tpu.memory_space<hbm>> -> memref<80x128xf32, #tpu.memory_space<hbm>>
      tpu.enqueue_dma source(%arg8 : memref<80x128xf32, #tpu.memory_space<vmem>>) target(%dma_start3A_63 : memref<80x128xf32, #tpu.memory_space<hbm>>) target_semaphore(%run_scoped3A : memref<!tpu.dma_semaphore, #tpu.memory_space<semaphore_mem>>)
      %dma_wait3A = arith.constant 0 : i32
      %dma_wait3A_64 = tpu.memref_slice %arg5[%arg0, %add3A_46, %dma_wait3A] : memref<2x10240x128xf32, #tpu.memory_space<hbm>> -> memref<1x80x128xf32, #tpu.memory_space<hbm>>
      %dma_wait3A_65 = tpu.memref_squeeze %dma_wait3A_64 : memref<1x80x128xf32, #tpu.memory_space<hbm>> -> memref<80x128xf32, #tpu.memory_space<hbm>>
      %dma_wait3A_66 = arith.constant 0 : i32
      %dma_wait3A_67 = tpu.memref_slice %arg5[%arg0, %add3A_46, %dma_wait3A_66] : memref<2x10240x128xf32, #tpu.memory_space<hbm>> -> memref<1x80x128xf32, #tpu.memory_space<hbm>>
      %dma_wait3A_68 = tpu.memref_squeeze %dma_wait3A_67 : memref<1x80x128xf32, #tpu.memory_space<hbm>> -> memref<80x128xf32, #tpu.memory_space<hbm>>
      tpu.wait_dma2 semaphore(%run_scoped3A : memref<!tpu.dma_semaphore, #tpu.memory_space<semaphore_mem>>) src(%arg8 : memref<80x128xf32, #tpu.memory_space<vmem>>) dst(%dma_wait3A_68 : memref<80x128xf32, #tpu.memory_space<hbm>>)
      tpu.yield
    }) : () -> ()
    %add3A_47 = arith.constant 400 : i32
    %add3A_48 = arith.addi %mul3A_0, %add3A_47 : i32
    "tpu.region"() ({
      %run_scoped3A = tpu.sem_alloc : memref<!tpu.dma_semaphore, #tpu.memory_space<semaphore_mem>>
      %dma_start3A = arith.constant 0 : i32
      %dma_start3A_59 = tpu.memref_slice %arg9[%add3A_48, %dma_start3A] : memref<10240x128xf32, #tpu.memory_space<vmem_shared>> -> memref<80x128xf32, #tpu.memory_space<vmem_shared>>
      %dma_start3A_60 = arith.constant 0 : i32
      %dma_start3A_61 = tpu.memref_slice %arg9[%add3A_48, %dma_start3A_60] : memref<10240x128xf32, #tpu.memory_space<vmem_shared>> -> memref<80x128xf32, #tpu.memory_space<vmem_shared>>
      tpu.enqueue_dma source(%dma_start3A_61 : memref<80x128xf32, #tpu.memory_space<vmem_shared>>) target(%arg8 : memref<80x128xf32, #tpu.memory_space<vmem>>) target_semaphore(%run_scoped3A : memref<!tpu.dma_semaphore, #tpu.memory_space<semaphore_mem>>)
      %dma_wait3A = arith.constant 0 : i32
      %dma_wait3A_62 = tpu.memref_slice %arg9[%add3A_48, %dma_wait3A] : memref<10240x128xf32, #tpu.memory_space<vmem_shared>> -> memref<80x128xf32, #tpu.memory_space<vmem_shared>>
      %dma_wait3A_63 = arith.constant 0 : i32
      %dma_wait3A_64 = tpu.memref_slice %arg9[%add3A_48, %dma_wait3A_63] : memref<10240x128xf32, #tpu.memory_space<vmem_shared>> -> memref<80x128xf32, #tpu.memory_space<vmem_shared>>
      tpu.wait_dma2 semaphore(%run_scoped3A : memref<!tpu.dma_semaphore, #tpu.memory_space<semaphore_mem>>) src(%dma_wait3A_64 : memref<80x128xf32, #tpu.memory_space<vmem_shared>>) dst(%arg8 : memref<80x128xf32, #tpu.memory_space<vmem>>)
      tpu.yield
    }) : () -> ()
    %add3A_49 = arith.constant 400 : i32
    %add3A_50 = arith.addi %mul3A_0, %add3A_49 : i32
    "tpu.region"() ({
      %run_scoped3A = tpu.sem_alloc : memref<!tpu.dma_semaphore, #tpu.memory_space<semaphore_mem>>
      %dma_start3A = arith.constant 0 : i32
      %dma_start3A_59 = tpu.memref_slice %arg5[%arg0, %add3A_50, %dma_start3A] : memref<2x10240x128xf32, #tpu.memory_space<hbm>> -> memref<1x80x128xf32, #tpu.memory_space<hbm>>
      %dma_start3A_60 = tpu.memref_squeeze %dma_start3A_59 : memref<1x80x128xf32, #tpu.memory_space<hbm>> -> memref<80x128xf32, #tpu.memory_space<hbm>>
      %dma_start3A_61 = arith.constant 0 : i32
      %dma_start3A_62 = tpu.memref_slice %arg5[%arg0, %add3A_50, %dma_start3A_61] : memref<2x10240x128xf32, #tpu.memory_space<hbm>> -> memref<1x80x128xf32, #tpu.memory_space<hbm>>
      %dma_start3A_63 = tpu.memref_squeeze %dma_start3A_62 : memref<1x80x128xf32, #tpu.memory_space<hbm>> -> memref<80x128xf32, #tpu.memory_space<hbm>>
      tpu.enqueue_dma source(%arg8 : memref<80x128xf32, #tpu.memory_space<vmem>>) target(%dma_start3A_63 : memref<80x128xf32, #tpu.memory_space<hbm>>) target_semaphore(%run_scoped3A : memref<!tpu.dma_semaphore, #tpu.memory_space<semaphore_mem>>)
      %dma_wait3A = arith.constant 0 : i32
      %dma_wait3A_64 = tpu.memref_slice %arg5[%arg0, %add3A_50, %dma_wait3A] : memref<2x10240x128xf32, #tpu.memory_space<hbm>> -> memref<1x80x128xf32, #tpu.memory_space<hbm>>
      %dma_wait3A_65 = tpu.memref_squeeze %dma_wait3A_64 : memref<1x80x128xf32, #tpu.memory_space<hbm>> -> memref<80x128xf32, #tpu.memory_space<hbm>>
      %dma_wait3A_66 = arith.constant 0 : i32
      %dma_wait3A_67 = tpu.memref_slice %arg5[%arg0, %add3A_50, %dma_wait3A_66] : memref<2x10240x128xf32, #tpu.memory_space<hbm>> -> memref<1x80x128xf32, #tpu.memory_space<hbm>>
      %dma_wait3A_68 = tpu.memref_squeeze %dma_wait3A_67 : memref<1x80x128xf32, #tpu.memory_space<hbm>> -> memref<80x128xf32, #tpu.memory_space<hbm>>
      tpu.wait_dma2 semaphore(%run_scoped3A : memref<!tpu.dma_semaphore, #tpu.memory_space<semaphore_mem>>) src(%arg8 : memref<80x128xf32, #tpu.memory_space<vmem>>) dst(%dma_wait3A_68 : memref<80x128xf32, #tpu.memory_space<hbm>>)
      tpu.yield
    }) : () -> ()
    %add3A_51 = arith.constant 480 : i32
    %add3A_52 = arith.addi %mul3A_0, %add3A_51 : i32
    "tpu.region"() ({
      %run_scoped3A = tpu.sem_alloc : memref<!tpu.dma_semaphore, #tpu.memory_space<semaphore_mem>>
      %dma_start3A = arith.constant 0 : i32
      %dma_start3A_59 = tpu.memref_slice %arg9[%add3A_52, %dma_start3A] : memref<10240x128xf32, #tpu.memory_space<vmem_shared>> -> memref<80x128xf32, #tpu.memory_space<vmem_shared>>
      %dma_start3A_60 = arith.constant 0 : i32
      %dma_start3A_61 = tpu.memref_slice %arg9[%add3A_52, %dma_start3A_60] : memref<10240x128xf32, #tpu.memory_space<vmem_shared>> -> memref<80x128xf32, #tpu.memory_space<vmem_shared>>
      tpu.enqueue_dma source(%dma_start3A_61 : memref<80x128xf32, #tpu.memory_space<vmem_shared>>) target(%arg8 : memref<80x128xf32, #tpu.memory_space<vmem>>) target_semaphore(%run_scoped3A : memref<!tpu.dma_semaphore, #tpu.memory_space<semaphore_mem>>)
      %dma_wait3A = arith.constant 0 : i32
      %dma_wait3A_62 = tpu.memref_slice %arg9[%add3A_52, %dma_wait3A] : memref<10240x128xf32, #tpu.memory_space<vmem_shared>> -> memref<80x128xf32, #tpu.memory_space<vmem_shared>>
      %dma_wait3A_63 = arith.constant 0 : i32
      %dma_wait3A_64 = tpu.memref_slice %arg9[%add3A_52, %dma_wait3A_63] : memref<10240x128xf32, #tpu.memory_space<vmem_shared>> -> memref<80x128xf32, #tpu.memory_space<vmem_shared>>
      tpu.wait_dma2 semaphore(%run_scoped3A : memref<!tpu.dma_semaphore, #tpu.memory_space<semaphore_mem>>) src(%dma_wait3A_64 : memref<80x128xf32, #tpu.memory_space<vmem_shared>>) dst(%arg8 : memref<80x128xf32, #tpu.memory_space<vmem>>)
      tpu.yield
    }) : () -> ()
    %add3A_53 = arith.constant 480 : i32
    %add3A_54 = arith.addi %mul3A_0, %add3A_53 : i32
    "tpu.region"() ({
      %run_scoped3A = tpu.sem_alloc : memref<!tpu.dma_semaphore, #tpu.memory_space<semaphore_mem>>
      %dma_start3A = arith.constant 0 : i32
      %dma_start3A_59 = tpu.memref_slice %arg5[%arg0, %add3A_54, %dma_start3A] : memref<2x10240x128xf32, #tpu.memory_space<hbm>> -> memref<1x80x128xf32, #tpu.memory_space<hbm>>
      %dma_start3A_60 = tpu.memref_squeeze %dma_start3A_59 : memref<1x80x128xf32, #tpu.memory_space<hbm>> -> memref<80x128xf32, #tpu.memory_space<hbm>>
      %dma_start3A_61 = arith.constant 0 : i32
      %dma_start3A_62 = tpu.memref_slice %arg5[%arg0, %add3A_54, %dma_start3A_61] : memref<2x10240x128xf32, #tpu.memory_space<hbm>> -> memref<1x80x128xf32, #tpu.memory_space<hbm>>
      %dma_start3A_63 = tpu.memref_squeeze %dma_start3A_62 : memref<1x80x128xf32, #tpu.memory_space<hbm>> -> memref<80x128xf32, #tpu.memory_space<hbm>>
      tpu.enqueue_dma source(%arg8 : memref<80x128xf32, #tpu.memory_space<vmem>>) target(%dma_start3A_63 : memref<80x128xf32, #tpu.memory_space<hbm>>) target_semaphore(%run_scoped3A : memref<!tpu.dma_semaphore, #tpu.memory_space<semaphore_mem>>)
      %dma_wait3A = arith.constant 0 : i32
      %dma_wait3A_64 = tpu.memref_slice %arg5[%arg0, %add3A_54, %dma_wait3A] : memref<2x10240x128xf32, #tpu.memory_space<hbm>> -> memref<1x80x128xf32, #tpu.memory_space<hbm>>
      %dma_wait3A_65 = tpu.memref_squeeze %dma_wait3A_64 : memref<1x80x128xf32, #tpu.memory_space<hbm>> -> memref<80x128xf32, #tpu.memory_space<hbm>>
      %dma_wait3A_66 = arith.constant 0 : i32
      %dma_wait3A_67 = tpu.memref_slice %arg5[%arg0, %add3A_54, %dma_wait3A_66] : memref<2x10240x128xf32, #tpu.memory_space<hbm>> -> memref<1x80x128xf32, #tpu.memory_space<hbm>>
      %dma_wait3A_68 = tpu.memref_squeeze %dma_wait3A_67 : memref<1x80x128xf32, #tpu.memory_space<hbm>> -> memref<80x128xf32, #tpu.memory_space<hbm>>
      tpu.wait_dma2 semaphore(%run_scoped3A : memref<!tpu.dma_semaphore, #tpu.memory_space<semaphore_mem>>) src(%arg8 : memref<80x128xf32, #tpu.memory_space<vmem>>) dst(%dma_wait3A_68 : memref<80x128xf32, #tpu.memory_space<hbm>>)
      tpu.yield
    }) : () -> ()
    %add3A_55 = arith.constant 560 : i32
    %add3A_56 = arith.addi %mul3A_0, %add3A_55 : i32
    "tpu.region"() ({
      %run_scoped3A = tpu.sem_alloc : memref<!tpu.dma_semaphore, #tpu.memory_space<semaphore_mem>>
      %dma_start3A = arith.constant 0 : i32
      %dma_start3A_59 = tpu.memref_slice %arg9[%add3A_56, %dma_start3A] : memref<10240x128xf32, #tpu.memory_space<vmem_shared>> -> memref<80x128xf32, #tpu.memory_space<vmem_shared>>
      %dma_start3A_60 = arith.constant 0 : i32
      %dma_start3A_61 = tpu.memref_slice %arg9[%add3A_56, %dma_start3A_60] : memref<10240x128xf32, #tpu.memory_space<vmem_shared>> -> memref<80x128xf32, #tpu.memory_space<vmem_shared>>
      tpu.enqueue_dma source(%dma_start3A_61 : memref<80x128xf32, #tpu.memory_space<vmem_shared>>) target(%arg8 : memref<80x128xf32, #tpu.memory_space<vmem>>) target_semaphore(%run_scoped3A : memref<!tpu.dma_semaphore, #tpu.memory_space<semaphore_mem>>)
      %dma_wait3A = arith.constant 0 : i32
      %dma_wait3A_62 = tpu.memref_slice %arg9[%add3A_56, %dma_wait3A] : memref<10240x128xf32, #tpu.memory_space<vmem_shared>> -> memref<80x128xf32, #tpu.memory_space<vmem_shared>>
      %dma_wait3A_63 = arith.constant 0 : i32
      %dma_wait3A_64 = tpu.memref_slice %arg9[%add3A_56, %dma_wait3A_63] : memref<10240x128xf32, #tpu.memory_space<vmem_shared>> -> memref<80x128xf32, #tpu.memory_space<vmem_shared>>
      tpu.wait_dma2 semaphore(%run_scoped3A : memref<!tpu.dma_semaphore, #tpu.memory_space<semaphore_mem>>) src(%dma_wait3A_64 : memref<80x128xf32, #tpu.memory_space<vmem_shared>>) dst(%arg8 : memref<80x128xf32, #tpu.memory_space<vmem>>)
      tpu.yield
    }) : () -> ()
    %add3A_57 = arith.constant 560 : i32
    %add3A_58 = arith.addi %mul3A_0, %add3A_57 : i32
    "tpu.region"() ({
      %run_scoped3A = tpu.sem_alloc : memref<!tpu.dma_semaphore, #tpu.memory_space<semaphore_mem>>
      %dma_start3A = arith.constant 0 : i32
      %dma_start3A_59 = tpu.memref_slice %arg5[%arg0, %add3A_58, %dma_start3A] : memref<2x10240x128xf32, #tpu.memory_space<hbm>> -> memref<1x80x128xf32, #tpu.memory_space<hbm>>
      %dma_start3A_60 = tpu.memref_squeeze %dma_start3A_59 : memref<1x80x128xf32, #tpu.memory_space<hbm>> -> memref<80x128xf32, #tpu.memory_space<hbm>>
      %dma_start3A_61 = arith.constant 0 : i32
      %dma_start3A_62 = tpu.memref_slice %arg5[%arg0, %add3A_58, %dma_start3A_61] : memref<2x10240x128xf32, #tpu.memory_space<hbm>> -> memref<1x80x128xf32, #tpu.memory_space<hbm>>
      %dma_start3A_63 = tpu.memref_squeeze %dma_start3A_62 : memref<1x80x128xf32, #tpu.memory_space<hbm>> -> memref<80x128xf32, #tpu.memory_space<hbm>>
      tpu.enqueue_dma source(%arg8 : memref<80x128xf32, #tpu.memory_space<vmem>>) target(%dma_start3A_63 : memref<80x128xf32, #tpu.memory_space<hbm>>) target_semaphore(%run_scoped3A : memref<!tpu.dma_semaphore, #tpu.memory_space<semaphore_mem>>)
      %dma_wait3A = arith.constant 0 : i32
      %dma_wait3A_64 = tpu.memref_slice %arg5[%arg0, %add3A_58, %dma_wait3A] : memref<2x10240x128xf32, #tpu.memory_space<hbm>> -> memref<1x80x128xf32, #tpu.memory_space<hbm>>
      %dma_wait3A_65 = tpu.memref_squeeze %dma_wait3A_64 : memref<1x80x128xf32, #tpu.memory_space<hbm>> -> memref<80x128xf32, #tpu.memory_space<hbm>>
      %dma_wait3A_66 = arith.constant 0 : i32
      %dma_wait3A_67 = tpu.memref_slice %arg5[%arg0, %add3A_58, %dma_wait3A_66] : memref<2x10240x128xf32, #tpu.memory_space<hbm>> -> memref<1x80x128xf32, #tpu.memory_space<hbm>>
      %dma_wait3A_68 = tpu.memref_squeeze %dma_wait3A_67 : memref<1x80x128xf32, #tpu.memory_space<hbm>> -> memref<80x128xf32, #tpu.memory_space<hbm>>
      tpu.wait_dma2 semaphore(%run_scoped3A : memref<!tpu.dma_semaphore, #tpu.memory_space<semaphore_mem>>) src(%arg8 : memref<80x128xf32, #tpu.memory_space<vmem>>) dst(%dma_wait3A_68 : memref<80x128xf32, #tpu.memory_space<hbm>>)
      tpu.yield
    }) : () -> ()
    return
  }
}

module attributes {stable_mosaic.version = 14 : i64} {
  func.func @body(%arg0: i32, %arg1: memref<1280x128xf32, #tpu.memory_space<vmem>>, %arg2: memref<2x1280x128xf32, #tpu.memory_space<vmem>>, %arg3: memref<1280x1xf32, #tpu.memory_space<vmem>>, %arg4: memref<128x128xf32, #tpu.memory_space<vmem>>, %arg5: memref<128x128xf32, #tpu.memory_space<vmem>>, %arg6: memref<1x128xf32, #tpu.memory_space<vmem>>, %arg7: memref<1x128xf32, #tpu.memory_space<vmem>>, %arg8: memref<1280x128xf32, #tpu.memory_space<vmem>>) attributes {dimension_semantics = [#tpu.dimension_semantics<arbitrary>], iteration_bounds = array<i64: 8>, scalar_prefetch = 0 : i64, scratch_operands = 0 : i64, tpu.core_type = #tpu.core_type<tc>, window_params = [{transform_indices = @transform_0, window_bounds = array<i64: 1280, 128>}, {transform_indices = @transform_1, window_bounds = array<i64: 2, 1280, 128>}, {transform_indices = @transform_2, window_bounds = array<i64: 1280, 1>}, {pipeline_mode = #tpu.pipeline_mode<synchronous>, transform_indices = @transform_3, window_bounds = array<i64: 128, 128>}, {pipeline_mode = #tpu.pipeline_mode<synchronous>, transform_indices = @transform_4, window_bounds = array<i64: 128, 128>}, {pipeline_mode = #tpu.pipeline_mode<synchronous>, transform_indices = @transform_5, window_bounds = array<i64: 1, 128>}, {pipeline_mode = #tpu.pipeline_mode<synchronous>, transform_indices = @transform_6, window_bounds = array<i64: 1, 128>}, {transform_indices = @transform_7, window_bounds = array<i64: 1280, 128>}]} {
    %get3A = arith.constant 0 : index
    %get3A_0 = arith.constant 0 : index
    %get3A_1 = vector.load %arg3[%get3A, %get3A_0] : memref<1280x1xf32, #tpu.memory_space<vmem>>, vector<1280x1xf32>
    %max3A = arith.constant 1.000000e+00 : f32
    %max3A_2 = vector.broadcast %max3A : f32 to vector<1280x1xf32>
    %max3A_3 = arith.maximumf %get3A_1, %max3A_2 : vector<1280x1xf32>
    %get3A_4 = arith.constant 0 : index
    %get3A_5 = arith.constant 0 : index
    %get3A_6 = arith.constant 0 : index
    %get3A_7 = vector.load %arg2[%get3A_4, %get3A_5, %get3A_6] : memref<2x1280x128xf32, #tpu.memory_space<vmem>>, vector<1x1280x128xf32>
    %get3A_8 = vector.shape_cast %get3A_7 : vector<1x1280x128xf32> to vector<1280x128xf32>
    %get3A_9 = arith.constant 1 : index
    %get3A_10 = arith.constant 0 : index
    %get3A_11 = arith.constant 0 : index
    %get3A_12 = vector.load %arg2[%get3A_9, %get3A_10, %get3A_11] : memref<2x1280x128xf32, #tpu.memory_space<vmem>>, vector<1x1280x128xf32>
    %get3A_13 = vector.shape_cast %get3A_12 : vector<1x1280x128xf32> to vector<1280x128xf32>
    %add3A = arith.addf %get3A_8, %get3A_13 : vector<1280x128xf32>
    %div3A = vector.broadcast %max3A_3 : vector<1280x1xf32> to vector<1280x128xf32>
    %div3A_14 = arith.divf %add3A, %div3A : vector<1280x128xf32>
    %get3A_15 = arith.constant 0 : index
    %get3A_16 = arith.constant 0 : index
    %get3A_17 = vector.load %arg1[%get3A_15, %get3A_16] : memref<1280x128xf32, #tpu.memory_space<vmem>>, vector<1280x128xf32>
    %get3A_18 = arith.constant 0 : index
    %get3A_19 = arith.constant 0 : index
    %get3A_20 = vector.load %arg4[%get3A_18, %get3A_19] : memref<128x128xf32, #tpu.memory_space<vmem>>, vector<128x128xf32>
    %dot_general3A = arith.constant dense<0.000000e+00> : vector<1280x128xf32>
    %dot_general3A_21 = tpu.matmul %get3A_17, %get3A_20, %dot_general3A {dimension_numbers = #tpu.dot_dimension_numbers<[1], [0], [0], [1], [0, 0, 1, 1], [], []>, transpose_lhs_hint = false} : vector<1280x128xf32>, vector<128x128xf32>, vector<1280x128xf32> -> vector<1280x128xf32>
    %get3A_22 = arith.constant 0 : index
    %get3A_23 = arith.constant 0 : index
    %get3A_24 = vector.load %arg5[%get3A_22, %get3A_23] : memref<128x128xf32, #tpu.memory_space<vmem>>, vector<128x128xf32>
    %dot_general3A_25 = arith.constant dense<0.000000e+00> : vector<1280x128xf32>
    %dot_general3A_26 = tpu.matmul %div3A_14, %get3A_24, %dot_general3A_25 {dimension_numbers = #tpu.dot_dimension_numbers<[1], [0], [0], [1], [0, 0, 1, 1], [], []>, transpose_lhs_hint = false} : vector<1280x128xf32>, vector<128x128xf32>, vector<1280x128xf32> -> vector<1280x128xf32>
    %add3A_27 = arith.addf %dot_general3A_21, %dot_general3A_26 : vector<1280x128xf32>
    %get3A_28 = arith.constant 0 : index
    %get3A_29 = arith.constant 0 : index
    %get3A_30 = vector.load %arg6[%get3A_28, %get3A_29] : memref<1x128xf32, #tpu.memory_space<vmem>>, vector<1x128xf32>
    %add3A_31 = vector.broadcast %get3A_30 : vector<1x128xf32> to vector<1280x128xf32>
    %add3A_32 = arith.addf %add3A_27, %add3A_31 : vector<1280x128xf32>
    %get3A_33 = arith.constant 0 : index
    %get3A_34 = arith.constant 0 : index
    %get3A_35 = vector.load %arg7[%get3A_33, %get3A_34] : memref<1x128xf32, #tpu.memory_space<vmem>>, vector<1x128xf32>
    %gt3A = arith.constant 0.000000e+00 : f32
    %gt3A_36 = vector.broadcast %gt3A : f32 to vector<1x128xf32>
    %gt3A_37 = arith.cmpf ogt, %get3A_35, %gt3A_36 : vector<1x128xf32>
    %max3A_38 = arith.constant 0.000000e+00 : f32
    %max3A_39 = vector.broadcast %max3A_38 : f32 to vector<1280x128xf32>
    %max3A_40 = arith.maximumf %add3A_32, %max3A_39 : vector<1280x128xf32>
    %broadcast_in_dim3A = vector.shape_cast %gt3A_37 : vector<1x128xi1> to vector<1x128xi1>
    %broadcast_in_dim3A_41 = vector.broadcast %broadcast_in_dim3A : vector<1x128xi1> to vector<1280x128xi1>
    %select_n3A = arith.select %broadcast_in_dim3A_41, %max3A_40, %add3A_32 : vector<1280x128xi1>, vector<1280x128xf32>
    %swap3A = arith.constant 0 : index
    %swap3A_42 = arith.constant 0 : index
    %swap3A_43 = vector.load %arg8[%swap3A, %swap3A_42] : memref<1280x128xf32, #tpu.memory_space<vmem>>, vector<1280x128xf32>
    tpu.vector_store %arg8[%swap3A, %swap3A_42], %select_n3A {strides = array<i32>} : memref<1280x128xf32, #tpu.memory_space<vmem>>, vector<1280x128xf32>,
    return
  }
  func.func @transform_0(%arg0: i32) -> (i32, i32) {
    %c0_i32 = arith.constant 0 : i32
    %c0_i32_0 = arith.constant 0 : i32
    return %arg0, %c0_i32 : i32, i32
  }
  func.func @transform_1(%arg0: i32) -> (i32, i32, i32) {
    %c0_i32 = arith.constant 0 : i32
    %c0_i32_0 = arith.constant 0 : i32
    %c0_i32_1 = arith.constant 0 : i32
    return %c0_i32, %arg0, %c0_i32_0 : i32, i32, i32
  }
  func.func @transform_2(%arg0: i32) -> (i32, i32) {
    %c0_i32 = arith.constant 0 : i32
    %c0_i32_0 = arith.constant 0 : i32
    return %arg0, %c0_i32 : i32, i32
  }
  func.func @transform_3(%arg0: i32) -> (i32, i32) {
    %c0_i32 = arith.constant 0 : i32
    %c0_i32_0 = arith.constant 0 : i32
    %c0_i32_1 = arith.constant 0 : i32
    return %c0_i32, %c0_i32_0 : i32, i32
  }
  func.func @transform_4(%arg0: i32) -> (i32, i32) {
    %c0_i32 = arith.constant 0 : i32
    %c0_i32_0 = arith.constant 0 : i32
    %c0_i32_1 = arith.constant 0 : i32
    return %c0_i32, %c0_i32_0 : i32, i32
  }
  func.func @transform_5(%arg0: i32) -> (i32, i32) {
    %c0_i32 = arith.constant 0 : i32
    %c0_i32_0 = arith.constant 0 : i32
    %c0_i32_1 = arith.constant 0 : i32
    return %c0_i32, %c0_i32_0 : i32, i32
  }
  func.func @transform_6(%arg0: i32) -> (i32, i32) {
    %c0_i32 = arith.constant 0 : i32
    %c0_i32_0 = arith.constant 0 : i32
    %c0_i32_1 = arith.constant 0 : i32
    return %c0_i32, %c0_i32_0 : i32, i32
  }
  func.func @transform_7(%arg0: i32) -> (i32, i32) {
    %c0_i32 = arith.constant 0 : i32
    %c0_i32_0 = arith.constant 0 : i32
    return %arg0, %c0_i32 : i32, i32
  }
}

</mosaic_0001>

<sc_bundles>
// kernel: closed_call.13.cloned.1.call-start
scs
__scs_entry_jumppad:
0x0: {  	(pc) =	sbr.rel $0x88, $3  }
0x1: {  	(tag) =	ssettag $0x0;
	lr =	simm.s32 $0x1  }
0x2: {  	[smem:$0x3F99] =	sst lr;
	_ =	strace $0xD0000000  }
0x3: {  	_ = 	snop  }
0x4: {  	_ = 	snop  }
0x5: {  	_ = 	snop  }
0x6: {  	_ = 	snop  }
0x7: {  	_ = 	snop  }
__scs_overlays_trampoline_lowered:
0x8: {  	[smem:$0x3FA8] =	sst s0  }
0x9: {  	[smem:$0x3FA9] =	sst s1  }
0xa: {  	[smem:$0x3FAA] =	sst s2  }
0xb: {  	[smem:$0x3FAB] =	sst s3  }
0xc: {  	[smem:$0x3FAC] =	sst s4  }
0xd: {  	[smem:$0x3FAD] =	sst s5  }
0xe: {  	[smem:$0x3FAE] =	sst s6  }
0xf: {  	[smem:$0x3FAF] =	sst s7  }
0x10: {  	[smem:$0x3FB0] =	sst s8  }
0x11: {  	[smem:$0x3FB1] =	sst s9;
	s0 =	simm.s32 @!p0 $0x0  }
0x12: {  	s1 =	sld [smem:$0x3F97];
	s0 =	simm.s32 @p0 $0x1  }
0x13: {  	[smem:$0x3FB2] =	sst s0;
	s0 =	simm.s32 @!p1 $0x0  }
0x14: {  	s2 =	sld [smem:$0x3F96];
	s0 =	simm.s32 @p1 $0x1  }
0x15: {  	[smem:$0x3FB3] =	sst s0;
	s0 =	simm.s32 @!p2 $0x0  }
0x16: {  	s3 =	sld [smem:$0x3FDB];
	s0 =	simm.s32 @p2 $0x1  }
0x17: {  	s4 =	simm.s32 $0x1BF5;
	[smem:$0x3FB5] =	sst s0  }
0x18: {  	s0 =	sld [smem:$0x3F98];
	_ =	swait.ge [sflag:s4], $0x0  }
0x19: {  	s7 =	sld [smem:$0x3F99]  }
0x1a: {  	s8 =	sadd.s32 $0xFFFFE003, lr  }
0x1b: {  	s9 =	sadd.s32 $0xFFFFFEF7, lr;
	s5 =	simm.s32 $0xFFFFFFFF;
	p2 =	slt.u32 s8, $0xFFFFF086  }
0x1c: {  	p1 =	slt.u32 s9, $0xF7A;
	s5 =	simm.s32 @!p2 $0x0  }
0x1d: {  	s5 =	simm.s32 @p1 $0x1;
	p0 =	seq.s32 s7, s2  }
0x1e: {  	s7 =	smul.u32 @!p0 $0xF7A, s2;
	p2 =	seq.s32 @!p0 s5, $0x0  }
0x1f: {  	s9 =	smul.u32 $0xF7A, s1;
	s8 =	simm.s32 @!p0 $0x1BF5;
	p2 =	por !p2, p0  }
0x20: {  	[sflag:s8] =	ssyncset.s32 @!p0 $0xFFFFF086;
	s6 =	sadd.s32 @!p0 s3, s7;
	s7 =	simm.s32 @!p0 $0x108  }
0x21: {  	s3 =	sadd.s32 s3, s9;
	s6 =	sadd.s32 @!p0 $0x88, s6;
	s7 =	simm.s32 @p2 $0x1082  }
0x22: {  	[simem:s7], [sflag:s8] =	dma.local @!p0 [hbm:s6], $0xF7A  }
0x23: {  	s9 =	sor.u32 $0xD0000000, s2;
	s6 =	simm.s32 $0x108;
	_ =	swait.ge @!p0 [sflag:s8], $0x0  }
0x24: {  	s3 =	sadd.s32 $0x88, s3;
	s6 =	simm.s32 @!p1 $0x1082;
	[sflag:s4] =	ssyncset.s32 $0xFFFFF086  }
0x25: {  	[simem:s6], [sflag:s4] =	dma.local [hbm:s3], $0xF7A  }
0x26: {  	[smem:$0x3F99] =	sst s1;
	(tag) =	ssettag s2;
	_ =	strace s9  }
0x27: {  	s1 =	sld [smem:$0x3FA9]  }
0x28: {  	s2 =	sld [smem:$0x3FAA]  }
0x29: {  	s4 =	sld [smem:$0x3FAC]  }
0x2a: {  	p0 =	seq.s32 s5, $0x0;
	s5 =	sld [smem:$0x3FAD]  }
0x2b: {  	s6 =	sld [smem:$0x3FAE]  }
0x2c: {  	s7 =	sld [smem:$0x3FAF]  }
0x2d: {  	s3 =	simm.s32 $0x108;
	s8 =	sld [smem:$0x3FB0]  }
0x2e: {  	s3 =	simm.s32 @!p0 $0x1082;
	s9 =	sld [smem:$0x3FB1]  }
0x2f: {  	lr =	sadd.s32 s0, s3;
	s0 =	sld [smem:$0x3FA8]  }
0x30: {  	s3 =	sld [smem:$0x3FAB]  }
0x31: {  	[smem:$0x3FB4] =	sst s10  }
0x32: {  	s10 =	sld [smem:$0x3FB2];
	_ =	sdelay $0x3  }
0x33: {  	p0 =	seq.s32 s10, $0x1;
	s10 =	sld [smem:$0x3FB4];
	_ =	sdelay $0x3  }
0x34: {  	[smem:$0x3FB4] =	sst s10  }
0x35: {  	s10 =	sld [smem:$0x3FB3];
	_ =	sdelay $0x3  }
0x36: {  	p1 =	seq.s32 s10, $0x1;
	s10 =	sld [smem:$0x3FB4];
	_ =	sdelay $0x3  }
0x37: {  	[smem:$0x3FB4] =	sst s10  }
0x38: {  	s10 =	sld [smem:$0x3FB5]  }
0x39: {  	_ = 	snop;
	(pc) =	sbr.ind lr, $3  }
0x3a: {  	_ = 	snop  }
0x3b: {  	_ = 	snop  }
0x3c: {  	p2 =	seq.s32 s10, $0x1;
	s10 =	sld [smem:$0x3FB4]  }
0x3d: {  	_ =	shalt  }
0x3e: {  	_ =	shalt  }
0x3f: {  	_ =	shalt  }
0x40: {  	_ =	shalt  }
0x41: {  	_ =	shalt  }
0x42: {  	_ =	shalt  }
0x43: {  	_ =	shalt  }
0x44: {  	_ =	shalt  }
0x45: {  	_ =	shalt  }
0x46: {  	_ =	shalt  }
0x47: {  	_ =	shalt  }
0x48: {  	_ =	shalt  }
0x49: {  	_ =	shalt  }
0x4a: {  	_ =	shalt  }
0x4b: {  	_ =	shalt  }
0x4c: {  	_ =	shalt  }
0x4d: {  	_ =	shalt  }
0x4e: {  	_ =	shalt  }
0x4f: {  	_ =	shalt  }
0x50: {  	_ =	shalt  }
0x51: {  	_ =	shalt  }
0x52: {  	_ =	shalt  }
0x53: {  	_ =	shalt  }
0x54: {  	_ =	shalt  }
0x55: {  	_ =	shalt  }
0x56: {  	_ =	shalt  }
0x57: {  	_ =	shalt  }
0x58: {  	_ =	shalt  }
0x59: {  	_ =	shalt  }
0x5a: {  	_ =	shalt  }
0x5b: {  	_ =	shalt  }
0x5c: {  	_ =	shalt  }
0x5d: {  	_ =	shalt  }
0x5e: {  	_ =	shalt  }
0x5f: {  	_ =	shalt  }
0x60: {  	_ =	shalt  }
0x61: {  	_ =	shalt  }
0x62: {  	_ =	shalt  }
0x63: {  	_ =	shalt  }
0x64: {  	_ =	shalt  }
0x65: {  	_ =	shalt  }
0x66: {  	_ =	shalt  }
0x67: {  	_ =	shalt  }
0x68: {  	_ =	shalt  }
0x69: {  	_ =	shalt  }
0x6a: {  	_ =	shalt  }
0x6b: {  	_ =	shalt  }
0x6c: {  	_ =	shalt  }
0x6d: {  	_ =	shalt  }
0x6e: {  	_ =	shalt  }
0x6f: {  	_ =	shalt  }
0x70: {  	_ =	shalt  }
0x71: {  	_ =	shalt  }
0x72: {  	_ =	shalt  }
0x73: {  	_ =	shalt  }
0x74: {  	_ =	shalt  }
0x75: {  	_ =	shalt  }
0x76: {  	_ =	shalt  }
0x77: {  	_ =	shalt  }
0x78: {  	_ =	shalt  }
0x79: {  	_ =	shalt  }
0x7a: {  	_ =	shalt  }
0x7b: {  	_ =	shalt  }
0x7c: {  	_ =	shalt  }
0x7d: {  	_ =	shalt  }
0x7e: {  	_ =	shalt  }
0x7f: {  	_ =	shalt  }
0x80: {  	_ =	shalt  }
0x81: {  	_ =	shalt  }
0x82: {  	_ =	shalt  }
0x83: {  	_ =	shalt  }
0x84: {  	_ =	shalt  }
0x85: {  	_ =	shalt  }
0x86: {  	_ =	shalt  }
0x87: {  	_ =	shalt  }
.Lfunc_end0:
.L_simem_size_0:
called_computation_lowered:
.L_overlay_start_0:
0x88: {  	s2 =	sld [smem:$0x3FD9]  }
0x89: {  	s3 =	sld [smem:$0x3FFE];
	_ =	sdelay $0x1  }
0x8a: {  	s1 =	srdreg.scid  }
0x8b: {  	s0 =	sand.u32 $0x1, s1  }
0x8c: {  	s17 =	sshll.u32 s0, $0xA;
	s2 =	sadd.s32 s3, s2  }
0x8d: {  	s2 =	sadd.s32 s2, s17  }
0x8e: {  	[smem:$0x3FC0] =	sst s2  }
0x8f: {  	_ = 	snop  }
0x90: {  	s2 =	sld [smem:$0x3FD0];
	(tm) =	ssettm $0x1  }
0x91: {  	s18 =	sld [smem:$0x3FFB];
	_ =	sdelay $0x3  }
0x92: {  	_ =	strace s18  }
0x93: {  	s3 =	sld [smem:$0x3FFC];
	_ =	sdelay $0x3  }
0x94: {  	_ =	strace s3  }
0x95: {  	s3 =	sld [smem:$0x3FFD];
	_ =	sdelay $0x3  }
0x96: {  	_ =	strace s3  }
0x97: {  	_ =	strace $0x8FFFFFFF  }
0x98: {  	s19 =	sld [smem:$0x3FDB];
	_ =	sdelay $0x1  }
0x99: {  	s4 =	simm.s32 $_scs_section_size  }
0x9a: {  	s5 =	simm.s32 $_size__tile_overlayer_lowered;
	s6 =	simm.s32 $_tile_overlayer_lowered  }
0x9b: {  	s22 =	simm.s32 $0x1BFF;
	s21 =	sshll.u32 s6, $0x1;
	s3 =	sadd.s32 s4, s19  }
0x9c: {  	s7 =	simm.s32 $0x0;
	s20 =	sshll.u32 s5, $0x1;
	s5 =	sadd.s32 s21, s3  }
0x9d: {  	[timem:s7], [sflag:s22] =	dma.local [hbm:s5], s20  }
0x9e: {  	_ =	swait.ge [sflag:s22], s20  }
0x9f: {  	s4 =	ssub.s32 $0x0, s20;
	[sflag:s22] =	ssyncset.done $0x0  }
0xa0: {  	[sflag:s22] =	ssyncadd.s32 s4;
	_ =	sdelay $0x1  }
0xa1: {  	s23 =	simm.s32 $0x1B8B  }
0xa2: {  	_ =	swait.ge [sflag:s23], $0x1  }
0xa3: {  	[sflag:s23] =	ssyncset.done $0x0  }
0xa4: {  	s25 =	simm.s32 $0x1B8E;
	s24 =	sld [smem:$0x3FFE];
	[sflag:s23] =	ssyncadd.s32 $0xFFFFFFFF  }
0xa5: {  	s26 =	simm.s32 $execute0_lowered;
	[smem:$0x3FD2] =	sst s25  }
0xa6: {  	s5 =	sshll.u32 s26, $0x1;
	_ =	strace $0x80000049;
	[dreg:$0x1] =	wrdreg $0xFFFFFFFF  }
0xa7: {  	s28 =	simm.s32 $_size_execute0_lowered;
	s3 =	sadd.s32 s3, s5;
	[dreg:$0x0] =	wrdreg $0x0  }
0xa8: {  	s5 =	sshll.u32 s28, $0x1;
	[dreg:$0x2] =	wrdreg s3  }
0xa9: {  	[dreg:$0x3] =	wrdreg s5  }
0xaa: {  	[dreg:$0x4] =	wrdreg $0xC0  }
0xab: {  	_ =	task [dreg:s7], $0x5FFFF  }
0xac: {  	[dreg:$0x1] =	wrdreg $0xFFFFFFFF  }
0xad: {  	[dreg:$0x0] =	wrdreg $0x60  }
0xae: {  	[dreg:$0x2] =	wrdreg s24  }
0xaf: {  	[dreg:$0x3] =	wrdreg s2  }
0xb0: {  	[dreg:$0x4] =	wrdreg $0x9A000  }
0xb1: {  	[dreg:$0x5] =	wrdreg $0x9  }
0xb2: {  	_ =	task.clear_ibuf [dreg:s7], $0x6FFFF;
	_ =	strace $0x90000049  }
0xb3: {  	s29 =	simm.s32 $0x9;
	_ =	strace $0x8000004B  }
0xb4: {  	_ =	swait.ge [sflag:s29], $0x1  }
0xb5: {  	[sflag:s29] =	ssyncadd.s32 $0xFFFFFFFF  }
0xb6: {  	_ =	strace $0x9000004B  }
0xb7: {  	_ =	sfence  }
0xb8: {  	s30 =	sld [smem:$0x0];
	_ =	sdelay $0x2  }
0xb9: {  	s31 =	sshll.u32 s1, $0xD;
	s1 =	sshrl.u32 s1, $0x2  }
0xba: {  	s3 =	sand.u32 $0x4000, s31;
	s1 =	sadd.s32 s1, s30  }
0xbb: {  	s0 =	sor.u32 s3, s0;
	s1 =	sshll.u32 s1, $0x11  }
0xbc: {  	s0 =	sor.u32 s1, s0  }
0xbd: {  	s0 =	sadd.s32 $0x8F2B, s0  }
0xbe: {  	[sflag:s0] =	ssyncadd.remote.s32 $0x1  }
0xbf: {  	_ =	sfence.sel $0xFFFF  }
0xc0: {  	[dreg:$0x0] =	wrdreg $0xFFFFFFFF;
	(pc) =	sbr.abs _section_cstart, $3  }
0xc1: {  	[dreg:$0x1] =	wrdreg $0xFFFFFFFF  }
0xc2: {  	_ =	task.clear_ibuf [dreg:s7], $0x2FFFF;
	_ =	strace $0x9FFFFFFF  }
0xc3: {  	(tm) =	ssettm $0x7FFFFFFF  }
tec
execute0_lowered:
.L_overlay_start_1:
0x0: {  	(tag) =	ssettag $0x1  }
0x1: {  	s0 =	rddreg [dreg:$0x0]  }
0x2: {  	s2 =	rddreg [dreg:$0x1]  }
0x3: {  	s1 =	rddreg [dreg:$0x2];
	s3 =	simm.s32 $0x0;
	s5 =	srdreg.scid  }
0x4: {  	s23 =	stileid.u32;
	s28 =	simm.s32 $0x200;
	s29 =	simm.s32 $0x80  }
0x5: {  	s30 =	simm.s32 $0x3A00;
	s31 =	simm.s32 $0x1;
	[smem:$0x7FF] =	sst s3  }
0x6: {  	s4 =	sadd.s32 $0x2800, s0;
	s5 =	sand.u32 $0x1, s5;
	s6 =	smul.u32 $0x50000, s23  }
0x7: {  	s7 =	sadd.s32 $0x2A800, s0;
	s13 =	smul.u32 $0x14000, s23;
	s0 =	sadd.s32 $0x53800, s0  }
0x8: {  	_ =	strace $0x8000004A;
	s14 =	ssub.s32 $0x2, s5;
	s21 =	smul.u32 $0x140000, s5  }
0x9: {  	[dreg:$0x4] =	wrdreg s7;
	s5 =	smul.u32 $0xB400, s5;
	s8 =	sshrl.u32 s14, $0x1  }
0xa: {  	s6 =	sshrl.u32 s6, $0x2;
	s15 =	sor.u32 $0x2800, s13;
	s16 =	sadd.s32 $0x5000, s13  }
0xb: {  	s17 =	sadd.s32 $0x7800, s13;
	s18 =	sadd.s32 $0xA000, s13;
	s19 =	sadd.s32 $0xC800, s13  }
0xc: {  	s20 =	sadd.s32 $0xF000, s13;
	s22 =	sadd.s32 $0x11800, s13;
	s14 =	ssub.s32 s14, s8  }
0xd: {  	s6 =	sadd.s32 s6, s1;
	s7 =	sadd.s32 s15, s1;
	s8 =	sadd.s32 s16, s1  }
0xe: {  	s9 =	sadd.s32 s17, s1;
	s10 =	sadd.s32 s18, s1;
	s11 =	sadd.s32 s19, s1  }
0xf: {  	s12 =	sadd.s32 s20, s1;
	s13 =	sadd.s32 s13, s21;
	s15 =	sadd.s32 s21, s15  }
0x10: {  	s16 =	sadd.s32 s21, s16;
	s25 =	sadd.s32 s21, s17;
	s26 =	sadd.s32 s21, s18  }
0x11: {  	s2 =	sadd.s32 s5, s2;
	s5 =	simm.s32 $0x180;
	s13 =	sshrl.u32 s13, $0x3  }
0x12: {  	s15 =	sshrl.u32 s15, $0x3;
	s24 =	sshrl.u32 s16, $0x3;
	s13 =	sadd.s32 s0, s13  }
0x13: {  	s16 =	sadd.s32 s21, s19;
	s15 =	sadd.s32 s0, s15;
	[dreg:$0x5] =	wrdreg s13  }
0x14: {  	s19 =	sshrl.u32 s16, $0x3;
	[dreg:$0x6] =	wrdreg s15;
	s13 =	sadd.s32 s0, s24  }
0x15: {  	s15 =	sshrl.u32 s26, $0x3;
	s18 =	sadd.s32 s0, s19;
	s24 =	sadd.s32 s21, s20  }
0x16: {  	s26 =	smul.u32 $0xB40, s23;
	[dreg:$0x7] =	wrdreg s13;
	s13 =	sshrl.u32 s25, $0x3  }
0x17: {  	s17 =	sadd.s32 s0, s15;
	s25 =	sadd.s32 s21, s22;
	s21 =	sadd.s32 s22, s1  }
0x18: {  	s22 =	smax.u32 s14, $0x1;
	s13 =	sadd.s32 s0, s13;
	[dreg:$0x9] =	wrdreg s17  }
0x19: {  	s15 =	sshrl.u32 s25, $0x3;
	s23 =	sadd.s32 s26, s2;
	s25 =	simm.s32 $0x3  }
0x1a: {  	s26 =	simm.s32 $0x70;
	s2 =	simm.s32 $0x2;
	[dreg:$0x8] =	wrdreg s13  }
0x1b: {  	s13 =	sshrl.u32 s24, $0x3;
	s20 =	sadd.s32 s0, s15;
	s24 =	simm.s32 $0x7200  }
0x1c: {  	s19 =	sadd.s32 s0, s13;
	s0 =	simm.s32 $0x100;
	s13 =	simm.s32 $0x0  }
.LBB2_1:
0x1d: {  	s14 =	rddreg [dreg:$0x4]  }
0x1e: {  	[tilespmem:s24], [sflag:$0x3] =	stream.linear.gather [hbm4b:s14+s3], $0x2800, $0x38;
	[tilespmem:$0x1DA00] =	vst v63  }
0x1f: {  	_ =	swait.ge [sflag:s25], $0x2800  }
0x20: {  	[sflag:s25] =	ssyncset.done $0x0  }
0x21: {  	[sflag:s25] =	ssyncadd.s32 $0xFFFFD800  }
0x22: {  	[spmem:s6] =	stream.linear.scatter [tilespmem:s24], [sflag:$0x3], $0x2800, $0x38;
	[tilespmem:$0x1DA00] =	vst v63  }
0x23: {  	_ =	swait.ge [sflag:s25], $0x2800  }
0x24: {  	[sflag:s25] =	ssyncset.done $0x0  }
0x25: {  	[sflag:s25] =	ssyncadd.s32 $0xFFFFD800  }
0x26: {  	[spmem:s7] =	stream.linear.scatter [tilespmem:s24], [sflag:$0x3], $0x2800, $0x38;
	[tilespmem:$0x1DA00] =	vst v63  }
0x27: {  	_ =	swait.ge [sflag:s25], $0x2800  }
0x28: {  	[sflag:s25] =	ssyncset.done $0x0  }
0x29: {  	[sflag:s25] =	ssyncadd.s32 $0xFFFFD800  }
0x2a: {  	[spmem:s8] =	stream.linear.scatter [tilespmem:s24], [sflag:$0x3], $0x2800, $0x38;
	[tilespmem:$0x1DA00] =	vst v63  }
0x2b: {  	_ =	swait.ge [sflag:s25], $0x2800  }
0x2c: {  	[sflag:s25] =	ssyncset.done $0x0  }
0x2d: {  	[sflag:s25] =	ssyncadd.s32 $0xFFFFD800  }
0x2e: {  	[spmem:s9] =	stream.linear.scatter [tilespmem:s24], [sflag:$0x3], $0x2800, $0x38;
	[tilespmem:$0x1DA00] =	vst v63  }
0x2f: {  	_ =	swait.ge [sflag:s25], $0x2800  }
0x30: {  	[sflag:s25] =	ssyncset.done $0x0  }
0x31: {  	[sflag:s25] =	ssyncadd.s32 $0xFFFFD800  }
0x32: {  	[spmem:s10] =	stream.linear.scatter [tilespmem:s24], [sflag:$0x3], $0x2800, $0x38;
	[tilespmem:$0x1DA00] =	vst v63  }
0x33: {  	_ =	swait.ge [sflag:s25], $0x2800  }
0x34: {  	[sflag:s25] =	ssyncset.done $0x0  }
0x35: {  	[sflag:s25] =	ssyncadd.s32 $0xFFFFD800  }
0x36: {  	[spmem:s11] =	stream.linear.scatter [tilespmem:s24], [sflag:$0x3], $0x2800, $0x38;
	[tilespmem:$0x1DA00] =	vst v63  }
0x37: {  	_ =	swait.ge [sflag:s25], $0x2800  }
0x38: {  	[sflag:s25] =	ssyncset.done $0x0  }
0x39: {  	[sflag:s25] =	ssyncadd.s32 $0xFFFFD800  }
0x3a: {  	[spmem:s12] =	stream.linear.scatter [tilespmem:s24], [sflag:$0x3], $0x2800, $0x38;
	[tilespmem:$0x1DA00] =	vst v63  }
0x3b: {  	_ =	swait.ge [sflag:s25], $0x2800  }
0x3c: {  	[sflag:s25] =	ssyncset.done $0x0  }
0x3d: {  	[sflag:s25] =	ssyncadd.s32 $0xFFFFD800  }
0x3e: {  	[spmem:s21] =	stream.linear.scatter [tilespmem:s24], [sflag:$0x3], $0x2800, $0x38;
	[tilespmem:$0x1DA00] =	vst v63  }
0x3f: {  	_ =	swait.ge [sflag:s25], $0x2800  }
0x40: {  	[sflag:s25] =	ssyncset.done $0x0  }
0x41: {  	[sflag:s25] =	ssyncadd.s32 $0xFFFFD800  }
0x42: {  	s17 =	sadd.s32 $0x0, s23;
	[bflag:$0x0] =	sbarrier.arrive $0xFFFF  }
0x43: {  	[tilespmem:s3], [sflag:$0x3] =	stream.linear.gather [hbm4b:s17+s3], $0x200, $0x38;
	[tilespmem:$0x1DA00] =	vst v63  }
0x44: {  	_ =	swait.ge [sflag:s25], $0x200  }
0x45: {  	[sflag:s25] =	ssyncset.done $0x0  }
0x46: {  	[sflag:s25] =	ssyncadd.s32 $0xFFFFFE00  }
0x47: {  	[tilespmem:s28], [sflag:$0x1] =	stream.indirect.gather [hbm4b:s4+s26], $0x80, s3, s26, $0xb8;
	[tilespmem:$0x1DA00] =	vst v63  }
0x48: {  	_ = 	snop  }
0x49: {  	[tilespmem:s30], [sflag:$0x2] =	stream.indirect.gather [hbm4b:s4+s26], $0x80, s29, s26, $0xb8;
	[tilespmem:$0x1DA00] =	vst v63  }
0x4a: {  	_ =	swait.ge [sflag:s31], $0x3800  }
0x4b: {  	[sflag:s31] =	ssyncset.done $0x0  }
0x4c: {  	[sflag:s31] =	ssyncadd.s32 $0xFFFFC800  }
0x4d: {  	[spmem:s1] =	stream.indirect.scatter.add.f32 [tilespmem:s28], [sflag:$0x3], $0x80, s0, s26, $0xb8;
	[tilespmem:$0x1DA00] =	vst v63  }
0x4e: {  	_ =	swait.ge [sflag:s25], $0x3800  }
0x4f: {  	[sflag:s25] =	ssyncset.done $0x0  }
0x50: {  	[sflag:s25] =	ssyncadd.s32 $0xFFFFC800  }
0x51: {  	_ =	swait.ge [sflag:s2], $0x3800  }
0x52: {  	[sflag:s2] =	ssyncset.done $0x0  }
0x53: {  	[sflag:s2] =	ssyncadd.s32 $0xFFFFC800  }
0x54: {  	[spmem:s1] =	stream.indirect.scatter.add.f32 [tilespmem:s30], [sflag:$0x3], $0x80, s5, s26, $0xb8;
	[tilespmem:$0x1DA00] =	vst v63  }
0x55: {  	_ =	swait.ge [sflag:s25], $0x3800  }
0x56: {  	s15 =	simm.s32 $0x80;
	s14 =	simm.s32 $0x40;
	[sflag:s25] =	ssyncset.done $0x0  }
.LBB2_2:
0x57: {  	s16 =	sadd.s32 s14, s23  }
0x58: {  	[sflag:s25] =	ssyncadd.s32 $0xFFFFC800;
	s14 =	smov.u32 s15;
	s17 =	sadd.s32 $0x40, s15  }
0x59: {  	[tilespmem:s3], [sflag:$0x3] =	stream.linear.gather [hbm4b:s16+s3], $0x200, $0x38;
	[tilespmem:$0x1DA00] =	vst v63  }
0x5a: {  	p0 =	sne.s32 s15, $0xB00;
	_ =	swait.ge [sflag:s25], $0x200  }
0x5b: {  	[sflag:s25] =	ssyncset.done $0x0  }
0x5c: {  	[sflag:s25] =	ssyncadd.s32 $0xFFFFFE00  }
0x5d: {  	[tilespmem:s28], [sflag:$0x1] =	stream.indirect.gather [hbm4b:s4+s26], $0x80, s3, s26, $0xb8;
	[tilespmem:$0x1DA00] =	vst v63  }
0x5e: {  	_ = 	snop  }
0x5f: {  	[tilespmem:s30], [sflag:$0x2] =	stream.indirect.gather [hbm4b:s4+s26], $0x80, s29, s26, $0xb8;
	[tilespmem:$0x1DA00] =	vst v63  }
0x60: {  	_ =	swait.ge [sflag:s31], $0x3800  }
0x61: {  	[sflag:s31] =	ssyncset.done $0x0  }
0x62: {  	[sflag:s31] =	ssyncadd.s32 $0xFFFFC800  }
0x63: {  	[spmem:s1] =	stream.indirect.scatter.add.f32 [tilespmem:s28], [sflag:$0x3], $0x80, s0, s26, $0xb8;
	[tilespmem:$0x1DA00] =	vst v63  }
0x64: {  	_ =	swait.ge [sflag:s25], $0x3800  }
0x65: {  	[sflag:s25] =	ssyncset.done $0x0  }
0x66: {  	[sflag:s25] =	ssyncadd.s32 $0xFFFFC800  }
0x67: {  	_ =	swait.ge [sflag:s2], $0x3800  }
.Ltmp0:
0x68: {  	[sflag:s2] =	ssyncset.done $0x0;
	(pc) =	sbr.rel @p0 .LBB2_2-.Ltmp0, $4  }
0x69: {  	[sflag:s2] =	ssyncadd.s32 $0xFFFFC800  }
0x6a: {  	[spmem:s1] =	stream.indirect.scatter.add.f32 [tilespmem:s30], [sflag:$0x3], $0x80, s5, s26, $0xb8;
	[tilespmem:$0x1DA00] =	vst v63  }
0x6b: {  	_ =	swait.ge [sflag:s25], $0x3800  }
0x6c: {  	s15 =	smov.u32 s17;
	[sflag:s25] =	ssyncset.done $0x0  }
0x6d: {  	s14 =	sadd.s32 s14, s23;
	[sflag:s25] =	ssyncadd.s32 $0xFFFFC800  }
0x6e: {  	[tilespmem:s3], [sflag:$0x3] =	stream.linear.gather [hbm4b:s14+s3], $0x200, $0x38;
	[tilespmem:$0x1DA00] =	vst v63  }
0x6f: {  	_ =	swait.ge [sflag:s25], $0x200  }
0x70: {  	[sflag:s25] =	ssyncset.done $0x0  }
0x71: {  	[sflag:s25] =	ssyncadd.s32 $0xFFFFFE00  }
0x72: {  	[tilespmem:s28], [sflag:$0x1] =	stream.indirect.gather [hbm4b:s4+s26], $0x80, s3, s26, $0xb8;
	[tilespmem:$0x1DA00] =	vst v63  }
0x73: {  	_ = 	snop  }
0x74: {  	[tilespmem:s30], [sflag:$0x2] =	stream.indirect.gather [hbm4b:s4+s26], $0x80, s29, s26, $0xb8;
	[tilespmem:$0x1DA00] =	vst v63  }
0x75: {  	_ =	swait.ge [sflag:s31], $0x3800  }
0x76: {  	[sflag:s31] =	ssyncset.done $0x0  }
0x77: {  	[sflag:s31] =	ssyncadd.s32 $0xFFFFC800  }
0x78: {  	[spmem:s1] =	stream.indirect.scatter.add.f32 [tilespmem:s28], [sflag:$0x3], $0x80, s0, s26, $0xb8;
	[tilespmem:$0x1DA00] =	vst v63  }
0x79: {  	_ =	swait.ge [sflag:s25], $0x3800  }
0x7a: {  	[sflag:s25] =	ssyncset.done $0x0  }
0x7b: {  	[sflag:s25] =	ssyncadd.s32 $0xFFFFC800  }
0x7c: {  	_ =	swait.ge [sflag:s2], $0x3800  }
0x7d: {  	[sflag:s2] =	ssyncset.done $0x0  }
0x7e: {  	[sflag:s2] =	ssyncadd.s32 $0xFFFFC800  }
0x7f: {  	[spmem:s1] =	stream.indirect.scatter.add.f32 [tilespmem:s30], [sflag:$0x3], $0x80, s5, s26, $0xb8;
	[tilespmem:$0x1DA00] =	vst v63  }
0x80: {  	_ =	swait.ge [sflag:s25], $0x3800  }
0x81: {  	[sflag:s25] =	ssyncset.done $0x0  }
0x82: {  	[sflag:s25] =	ssyncadd.s32 $0xFFFFC800  }
0x83: {  	[bflag:$0x0] =	sbarrier.arrive $0xFFFF  }
0x84: {  	[tilespmem:s24], [sflag:$0x3] =	stream.linear.gather [spmem:s6], $0x2800, $0x38;
	[tilespmem:$0x1DA00] =	vst v63  }
0x85: {  	_ =	swait.ge [sflag:s25], $0x2800  }
0x86: {  	[sflag:s25] =	ssyncset.done $0x0  }
0x87: {  	s16 =	rddreg [dreg:$0x5];
	[sflag:s25] =	ssyncadd.s32 $0xFFFFD800  }
0x88: {  	[hbm4b:s16+s3] =	stream.linear.scatter [tilespmem:s24], [sflag:$0x3], $0x2800, $0x38;
	[tilespmem:$0x1DA00] =	vst v63  }
0x89: {  	_ =	swait.ge [sflag:s25], $0x2800  }
0x8a: {  	[sflag:s25] =	ssyncset.done $0x0  }
0x8b: {  	[sflag:s25] =	ssyncadd.s32 $0xFFFFD800  }
0x8c: {  	[tilespmem:s24], [sflag:$0x3] =	stream.linear.gather [spmem:s7], $0x2800, $0x38;
	[tilespmem:$0x1DA00] =	vst v63  }
0x8d: {  	_ =	swait.ge [sflag:s25], $0x2800  }
0x8e: {  	[sflag:s25] =	ssyncset.done $0x0  }
0x8f: {  	s17 =	rddreg [dreg:$0x6];
	[sflag:s25] =	ssyncadd.s32 $0xFFFFD800  }
0x90: {  	[hbm4b:s17+s3] =	stream.linear.scatter [tilespmem:s24], [sflag:$0x3], $0x2800, $0x38;
	[tilespmem:$0x1DA00] =	vst v63  }
0x91: {  	_ =	swait.ge [sflag:s25], $0x2800  }
0x92: {  	[sflag:s25] =	ssyncset.done $0x0  }
0x93: {  	[sflag:s25] =	ssyncadd.s32 $0xFFFFD800  }
0x94: {  	[tilespmem:s24], [sflag:$0x3] =	stream.linear.gather [spmem:s8], $0x2800, $0x38;
	[tilespmem:$0x1DA00] =	vst v63  }
0x95: {  	_ =	swait.ge [sflag:s25], $0x2800  }
0x96: {  	[sflag:s25] =	ssyncset.done $0x0  }
0x97: {  	s15 =	rddreg [dreg:$0x7];
	[sflag:s25] =	ssyncadd.s32 $0xFFFFD800  }
0x98: {  	[hbm4b:s15+s3] =	stream.linear.scatter [tilespmem:s24], [sflag:$0x3], $0x2800, $0x38;
	[tilespmem:$0x1DA00] =	vst v63  }
0x99: {  	_ =	swait.ge [sflag:s25], $0x2800  }
0x9a: {  	[sflag:s25] =	ssyncset.done $0x0  }
0x9b: {  	[sflag:s25] =	ssyncadd.s32 $0xFFFFD800  }
0x9c: {  	[tilespmem:s24], [sflag:$0x3] =	stream.linear.gather [spmem:s9], $0x2800, $0x38;
	[tilespmem:$0x1DA00] =	vst v63  }
0x9d: {  	_ =	swait.ge [sflag:s25], $0x2800  }
0x9e: {  	[sflag:s25] =	ssyncset.done $0x0  }
0x9f: {  	s16 =	rddreg [dreg:$0x8];
	[sflag:s25] =	ssyncadd.s32 $0xFFFFD800  }
0xa0: {  	[hbm4b:s16+s3] =	stream.linear.scatter [tilespmem:s24], [sflag:$0x3], $0x2800, $0x38;
	[tilespmem:$0x1DA00] =	vst v63  }
0xa1: {  	_ =	swait.ge [sflag:s25], $0x2800  }
0xa2: {  	[sflag:s25] =	ssyncset.done $0x0  }
0xa3: {  	[sflag:s25] =	ssyncadd.s32 $0xFFFFD800  }
0xa4: {  	[tilespmem:s24], [sflag:$0x3] =	stream.linear.gather [spmem:s10], $0x2800, $0x38;
	[tilespmem:$0x1DA00] =	vst v63  }
0xa5: {  	_ =	swait.ge [sflag:s25], $0x2800  }
0xa6: {  	[sflag:s25] =	ssyncset.done $0x0  }
0xa7: {  	s17 =	rddreg [dreg:$0x9];
	[sflag:s25] =	ssyncadd.s32 $0xFFFFD800  }
0xa8: {  	[hbm4b:s17+s3] =	stream.linear.scatter [tilespmem:s24], [sflag:$0x3], $0x2800, $0x38;
	[tilespmem:$0x1DA00] =	vst v63  }
0xa9: {  	_ =	swait.ge [sflag:s25], $0x2800  }
0xaa: {  	[sflag:s25] =	ssyncset.done $0x0  }
0xab: {  	[sflag:s25] =	ssyncadd.s32 $0xFFFFD800  }
0xac: {  	[tilespmem:s24], [sflag:$0x3] =	stream.linear.gather [spmem:s11], $0x2800, $0x38;
	[tilespmem:$0x1DA00] =	vst v63  }
0xad: {  	_ =	swait.ge [sflag:s25], $0x2800  }
0xae: {  	[sflag:s25] =	ssyncset.done $0x0  }
0xaf: {  	[sflag:s25] =	ssyncadd.s32 $0xFFFFD800  }
0xb0: {  	[hbm4b:s18+s3] =	stream.linear.scatter [tilespmem:s24], [sflag:$0x3], $0x2800, $0x38;
	[tilespmem:$0x1DA00] =	vst v63  }
0xb1: {  	_ =	swait.ge [sflag:s25], $0x2800  }
0xb2: {  	[sflag:s25] =	ssyncset.done $0x0  }
0xb3: {  	[sflag:s25] =	ssyncadd.s32 $0xFFFFD800  }
0xb4: {  	[tilespmem:s24], [sflag:$0x3] =	stream.linear.gather [spmem:s12], $0x2800, $0x38;
	[tilespmem:$0x1DA00] =	vst v63  }
0xb5: {  	_ =	swait.ge [sflag:s25], $0x2800  }
0xb6: {  	[sflag:s25] =	ssyncset.done $0x0  }
0xb7: {  	[sflag:s25] =	ssyncadd.s32 $0xFFFFD800  }
0xb8: {  	[hbm4b:s19+s3] =	stream.linear.scatter [tilespmem:s24], [sflag:$0x3], $0x2800, $0x38;
	[tilespmem:$0x1DA00] =	vst v63  }
0xb9: {  	_ =	swait.ge [sflag:s25], $0x2800  }
0xba: {  	[sflag:s25] =	ssyncset.done $0x0  }
0xbb: {  	[sflag:s25] =	ssyncadd.s32 $0xFFFFD800  }
0xbc: {  	[tilespmem:s24], [sflag:$0x3] =	stream.linear.gather [spmem:s21], $0x2800, $0x38;
	[tilespmem:$0x1DA00] =	vst v63  }
0xbd: {  	s13 =	sadd.s32 $0x1, s13;
	_ =	swait.ge [sflag:s25], $0x2800  }
0xbe: {  	p0 =	sne.s32 s13, s22;
	[sflag:s25] =	ssyncset.done $0x0  }
.Ltmp1:
0xbf: {  	[sflag:s25] =	ssyncadd.s32 $0xFFFFD800;
	(pc) =	sbr.rel @p0 .LBB2_1-.Ltmp1, $4  }
0xc0: {  	[hbm4b:s20+s3] =	stream.linear.scatter [tilespmem:s24], [sflag:$0x3], $0x2800, $0x38;
	[tilespmem:$0x1DA00] =	vst v63  }
0xc1: {  	_ =	swait.ge [sflag:s25], $0x2800  }
0xc2: {  	[sflag:s25] =	ssyncset.done $0x0  }
0xc3: {  	[sflag:s25] =	ssyncadd.s32 $0xFFFFD800  }
0xc4: {  	_ =	sfence.sel $0x180000  }
0xc5: {  	[bflag:$0x0] =	sbarrier.arrive $0xFFFF  }
0xc6: {  	_ =	strace $0x9000004A  }
0xc7: {  	s0 =	stileid.u32;
	[bflag:$0x2] =	sbarrier.arrive $0xFFFF  }
0xc8: {  	p0 =	sne.s32 s0, $0x0;
	s0 =	rddreg [dreg:$0x3]  }
0xc9: {  	s0 =	sadd.s32 @!p0 $0x100000, s0  }
0xca: {  	[sflag:s0] =	ssyncadd.tile.s32 @!p0 $0x1;
	_ =	shalt  }
.Lfunc_end2:
_tile_overlayer_lowered:
.L_overlay_start_2:
0xcb: {  	(tag) =	ssettag $0x2  }
0xcc: {  	s0 =	rddreg [dreg:$0x0];
	s2 =	stileid.u32  }
0xcd: {  	s1 =	rddreg [dreg:$0x1];
	p0 =	sne.s32 s2, $0x0  }
0xce: {  	s3 =	rddreg [dreg:$0x2];
	[bflag:$0x3] =	sbarrier.arrive $0xFFFF;
	s2 =	simm.s32 @!p0 $0x1C03  }
0xcf: {  	[timem:s3], [sflag:s2] =	dma.local @!p0 [hbm:s0], s1  }
0xd0: {  	s0 =	simm.s32 @!p0 $0x3  }
0xd1: {  	_ =	swait.ge @!p0 [sflag:s0], s1  }
0xd2: {  	s1 =	ssub.s32 @!p0 $0x0, s1;
	[sflag:s0] =	ssyncset.done @!p0 $0x0  }
0xd3: {  	[sflag:s0] =	ssyncadd.s32 @!p0 s1  }
0xd4: {  	[bflag:$0x3] =	sbarrier.arrive $0xFFFF  }
0xd5: {  	_ =	shalt  }

// kernel: kernel.3.cloned.1.call-start
scs
__scs_entry_jumppad:
0x0: {  	(pc) =	sbr.rel $0x88, $3  }
0x1: {  	(tag) =	ssettag $0x0;
	lr =	simm.s32 $0x1  }
0x2: {  	[smem:$0x3F99] =	sst lr;
	_ =	strace $0xD0000000  }
0x3: {  	_ = 	snop  }
0x4: {  	_ = 	snop  }
0x5: {  	_ = 	snop  }
0x6: {  	_ = 	snop  }
0x7: {  	_ = 	snop  }
__scs_overlays_trampoline_lowered:
0x8: {  	[smem:$0x3FA8] =	sst s0  }
0x9: {  	[smem:$0x3FA9] =	sst s1  }
0xa: {  	[smem:$0x3FAA] =	sst s2  }
0xb: {  	[smem:$0x3FAB] =	sst s3  }
0xc: {  	[smem:$0x3FAC] =	sst s4  }
0xd: {  	[smem:$0x3FAD] =	sst s5  }
0xe: {  	[smem:$0x3FAE] =	sst s6  }
0xf: {  	[smem:$0x3FAF] =	sst s7  }
0x10: {  	[smem:$0x3FB0] =	sst s8  }
0x11: {  	[smem:$0x3FB1] =	sst s9;
	s0 =	simm.s32 @!p0 $0x0  }
0x12: {  	s1 =	sld [smem:$0x3F97];
	s0 =	simm.s32 @p0 $0x1  }
0x13: {  	[smem:$0x3FB2] =	sst s0;
	s0 =	simm.s32 @!p1 $0x0  }
0x14: {  	s2 =	sld [smem:$0x3F96];
	s0 =	simm.s32 @p1 $0x1  }
0x15: {  	[smem:$0x3FB3] =	sst s0;
	s0 =	simm.s32 @!p2 $0x0  }
0x16: {  	s3 =	sld [smem:$0x3FDB];
	s0 =	simm.s32 @p2 $0x1  }
0x17: {  	s4 =	simm.s32 $0x1BF5;
	[smem:$0x3FB5] =	sst s0  }
0x18: {  	s0 =	sld [smem:$0x3F98];
	_ =	swait.ge [sflag:s4], $0x0  }
0x19: {  	s7 =	sld [smem:$0x3F99]  }
0x1a: {  	s8 =	sadd.s32 $0xFFFFE003, lr  }
0x1b: {  	s9 =	sadd.s32 $0xFFFFFEF7, lr;
	s5 =	simm.s32 $0xFFFFFFFF;
	p2 =	slt.u32 s8, $0xFFFFF086  }
0x1c: {  	p1 =	slt.u32 s9, $0xF7A;
	s5 =	simm.s32 @!p2 $0x0  }
0x1d: {  	s5 =	simm.s32 @p1 $0x1;
	p0 =	seq.s32 s7, s2  }
0x1e: {  	s7 =	smul.u32 @!p0 $0xF7A, s2;
	p2 =	seq.s32 @!p0 s5, $0x0  }
0x1f: {  	s9 =	smul.u32 $0xF7A, s1;
	s8 =	simm.s32 @!p0 $0x1BF5;
	p2 =	por !p2, p0  }
0x20: {  	[sflag:s8] =	ssyncset.s32 @!p0 $0xFFFFF086;
	s6 =	sadd.s32 @!p0 s3, s7;
	s7 =	simm.s32 @!p0 $0x108  }
0x21: {  	s3 =	sadd.s32 s3, s9;
	s6 =	sadd.s32 @!p0 $0x88, s6;
	s7 =	simm.s32 @p2 $0x1082  }
0x22: {  	[simem:s7], [sflag:s8] =	dma.local @!p0 [hbm:s6], $0xF7A  }
0x23: {  	s9 =	sor.u32 $0xD0000000, s2;
	s6 =	simm.s32 $0x108;
	_ =	swait.ge @!p0 [sflag:s8], $0x0  }
0x24: {  	s3 =	sadd.s32 $0x88, s3;
	s6 =	simm.s32 @!p1 $0x1082;
	[sflag:s4] =	ssyncset.s32 $0xFFFFF086  }
0x25: {  	[simem:s6], [sflag:s4] =	dma.local [hbm:s3], $0xF7A  }
0x26: {  	[smem:$0x3F99] =	sst s1;
	(tag) =	ssettag s2;
	_ =	strace s9  }
0x27: {  	s1 =	sld [smem:$0x3FA9]  }
0x28: {  	s2 =	sld [smem:$0x3FAA]  }
0x29: {  	s4 =	sld [smem:$0x3FAC]  }
0x2a: {  	p0 =	seq.s32 s5, $0x0;
	s5 =	sld [smem:$0x3FAD]  }
0x2b: {  	s6 =	sld [smem:$0x3FAE]  }
0x2c: {  	s7 =	sld [smem:$0x3FAF]  }
0x2d: {  	s3 =	simm.s32 $0x108;
	s8 =	sld [smem:$0x3FB0]  }
0x2e: {  	s3 =	simm.s32 @!p0 $0x1082;
	s9 =	sld [smem:$0x3FB1]  }
0x2f: {  	lr =	sadd.s32 s0, s3;
	s0 =	sld [smem:$0x3FA8]  }
0x30: {  	s3 =	sld [smem:$0x3FAB]  }
0x31: {  	[smem:$0x3FB4] =	sst s10  }
0x32: {  	s10 =	sld [smem:$0x3FB2];
	_ =	sdelay $0x3  }
0x33: {  	p0 =	seq.s32 s10, $0x1;
	s10 =	sld [smem:$0x3FB4];
	_ =	sdelay $0x3  }
0x34: {  	[smem:$0x3FB4] =	sst s10  }
0x35: {  	s10 =	sld [smem:$0x3FB3];
	_ =	sdelay $0x3  }
0x36: {  	p1 =	seq.s32 s10, $0x1;
	s10 =	sld [smem:$0x3FB4];
	_ =	sdelay $0x3  }
0x37: {  	[smem:$0x3FB4] =	sst s10  }
0x38: {  	s10 =	sld [smem:$0x3FB5]  }
0x39: {  	_ = 	snop;
	(pc) =	sbr.ind lr, $3  }
0x3a: {  	_ = 	snop  }
0x3b: {  	_ = 	snop  }
0x3c: {  	p2 =	seq.s32 s10, $0x1;
	s10 =	sld [smem:$0x3FB4]  }
0x3d: {  	_ =	shalt  }
0x3e: {  	_ =	shalt  }
0x3f: {  	_ =	shalt  }
0x40: {  	_ =	shalt  }
0x41: {  	_ =	shalt  }
0x42: {  	_ =	shalt  }
0x43: {  	_ =	shalt  }
0x44: {  	_ =	shalt  }
0x45: {  	_ =	shalt  }
0x46: {  	_ =	shalt  }
0x47: {  	_ =	shalt  }
0x48: {  	_ =	shalt  }
0x49: {  	_ =	shalt  }
0x4a: {  	_ =	shalt  }
0x4b: {  	_ =	shalt  }
0x4c: {  	_ =	shalt  }
0x4d: {  	_ =	shalt  }
0x4e: {  	_ =	shalt  }
0x4f: {  	_ =	shalt  }
0x50: {  	_ =	shalt  }
0x51: {  	_ =	shalt  }
0x52: {  	_ =	shalt  }
0x53: {  	_ =	shalt  }
0x54: {  	_ =	shalt  }
0x55: {  	_ =	shalt  }
0x56: {  	_ =	shalt  }
0x57: {  	_ =	shalt  }
0x58: {  	_ =	shalt  }
0x59: {  	_ =	shalt  }
0x5a: {  	_ =	shalt  }
0x5b: {  	_ =	shalt  }
0x5c: {  	_ =	shalt  }
0x5d: {  	_ =	shalt  }
0x5e: {  	_ =	shalt  }
0x5f: {  	_ =	shalt  }
0x60: {  	_ =	shalt  }
0x61: {  	_ =	shalt  }
0x62: {  	_ =	shalt  }
0x63: {  	_ =	shalt  }
0x64: {  	_ =	shalt  }
0x65: {  	_ =	shalt  }
0x66: {  	_ =	shalt  }
0x67: {  	_ =	shalt  }
0x68: {  	_ =	shalt  }
0x69: {  	_ =	shalt  }
0x6a: {  	_ =	shalt  }
0x6b: {  	_ =	shalt  }
0x6c: {  	_ =	shalt  }
0x6d: {  	_ =	shalt  }
0x6e: {  	_ =	shalt  }
0x6f: {  	_ =	shalt  }
0x70: {  	_ =	shalt  }
0x71: {  	_ =	shalt  }
0x72: {  	_ =	shalt  }
0x73: {  	_ =	shalt  }
0x74: {  	_ =	shalt  }
0x75: {  	_ =	shalt  }
0x76: {  	_ =	shalt  }
0x77: {  	_ =	shalt  }
0x78: {  	_ =	shalt  }
0x79: {  	_ =	shalt  }
0x7a: {  	_ =	shalt  }
0x7b: {  	_ =	shalt  }
0x7c: {  	_ =	shalt  }
0x7d: {  	_ =	shalt  }
0x7e: {  	_ =	shalt  }
0x7f: {  	_ =	shalt  }
0x80: {  	_ =	shalt  }
0x81: {  	_ =	shalt  }
0x82: {  	_ =	shalt  }
0x83: {  	_ =	shalt  }
0x84: {  	_ =	shalt  }
0x85: {  	_ =	shalt  }
0x86: {  	_ =	shalt  }
0x87: {  	_ =	shalt  }
.Lfunc_end0:
.L_simem_size_0:
called_computation.1_lowered:
.L_overlay_start_0:
0x88: {  	s2 =	sld [smem:$0x3FD9]  }
0x89: {  	s3 =	sld [smem:$0x3FFE];
	_ =	sdelay $0x1  }
0x8a: {  	s1 =	srdreg.scid  }
0x8b: {  	s0 =	sand.u32 $0x1, s1  }
0x8c: {  	s17 =	sshll.u32 s0, $0xA;
	s2 =	sadd.s32 s3, s2  }
0x8d: {  	s2 =	sadd.s32 s2, s17  }
0x8e: {  	[smem:$0x3FC0] =	sst s2  }
0x8f: {  	_ = 	snop  }
0x90: {  	s2 =	sld [smem:$0x3FD0];
	(tm) =	ssettm $0x1  }
0x91: {  	s18 =	sld [smem:$0x3FFB];
	_ =	sdelay $0x3  }
0x92: {  	_ =	strace s18  }
0x93: {  	s3 =	sld [smem:$0x3FFC];
	_ =	sdelay $0x3  }
0x94: {  	_ =	strace s3  }
0x95: {  	s3 =	sld [smem:$0x3FFD];
	_ =	sdelay $0x3  }
0x96: {  	_ =	strace s3  }
0x97: {  	_ =	strace $0x8FFFFFFF  }
0x98: {  	s19 =	sld [smem:$0x3FDB];
	_ =	sdelay $0x1  }
0x99: {  	s4 =	simm.s32 $_scs_section_size  }
0x9a: {  	s5 =	simm.s32 $_size__tile_overlayer_lowered;
	s6 =	simm.s32 $_tile_overlayer_lowered  }
0x9b: {  	s22 =	simm.s32 $0x1BFF;
	s21 =	sshll.u32 s6, $0x1;
	s3 =	sadd.s32 s4, s19  }
0x9c: {  	s7 =	simm.s32 $0x0;
	s20 =	sshll.u32 s5, $0x1;
	s5 =	sadd.s32 s21, s3  }
0x9d: {  	[timem:s7], [sflag:s22] =	dma.local [hbm:s5], s20  }
0x9e: {  	_ =	swait.ge [sflag:s22], s20  }
0x9f: {  	s4 =	ssub.s32 $0x0, s20;
	[sflag:s22] =	ssyncset.done $0x0  }
0xa0: {  	[sflag:s22] =	ssyncadd.s32 s4;
	_ =	sdelay $0x1  }
0xa1: {  	s23 =	simm.s32 $0x1B8B  }
0xa2: {  	_ =	swait.ge [sflag:s23], $0x1  }
0xa3: {  	[sflag:s23] =	ssyncset.done $0x0  }
0xa4: {  	s25 =	simm.s32 $0x1B8E;
	s24 =	sld [smem:$0x3FFE];
	[sflag:s23] =	ssyncadd.s32 $0xFFFFFFFF  }
0xa5: {  	s26 =	simm.s32 $execute0_lowered;
	[smem:$0x3FD2] =	sst s25  }
0xa6: {  	s5 =	sshll.u32 s26, $0x1;
	_ =	strace $0x80000046;
	[dreg:$0x1] =	wrdreg $0xFFFFFFFF  }
0xa7: {  	s28 =	simm.s32 $_size_execute0_lowered;
	s3 =	sadd.s32 s3, s5;
	[dreg:$0x0] =	wrdreg $0x0  }
0xa8: {  	s5 =	sshll.u32 s28, $0x1;
	[dreg:$0x2] =	wrdreg s3  }
0xa9: {  	[dreg:$0x3] =	wrdreg s5  }
0xaa: {  	[dreg:$0x4] =	wrdreg $0xC0  }
0xab: {  	_ =	task [dreg:s7], $0x5FFFF  }
0xac: {  	[dreg:$0x1] =	wrdreg $0xFFFFFFFF  }
0xad: {  	[dreg:$0x0] =	wrdreg $0x60  }
0xae: {  	[dreg:$0x2] =	wrdreg s2  }
0xaf: {  	[dreg:$0x3] =	wrdreg s24  }
0xb0: {  	[dreg:$0x4] =	wrdreg $0x60800  }
0xb1: {  	[dreg:$0x5] =	wrdreg $0x9  }
0xb2: {  	_ =	task.clear_ibuf [dreg:s7], $0x6FFFF;
	_ =	strace $0x90000046  }
0xb3: {  	s29 =	simm.s32 $0x9;
	_ =	strace $0x80000048  }
0xb4: {  	_ =	swait.ge [sflag:s29], $0x1  }
0xb5: {  	[sflag:s29] =	ssyncadd.s32 $0xFFFFFFFF  }
0xb6: {  	_ =	strace $0x90000048  }
0xb7: {  	_ =	sfence  }
0xb8: {  	s30 =	sld [smem:$0x0];
	_ =	sdelay $0x2  }
0xb9: {  	s31 =	sshll.u32 s1, $0xD;
	s1 =	sshrl.u32 s1, $0x2  }
0xba: {  	s3 =	sand.u32 $0x4000, s31;
	s1 =	sadd.s32 s1, s30  }
0xbb: {  	s0 =	sor.u32 s3, s0;
	s1 =	sshll.u32 s1, $0x11  }
0xbc: {  	s0 =	sor.u32 s1, s0  }
0xbd: {  	s0 =	sadd.s32 $0x8F2B, s0  }
0xbe: {  	[sflag:s0] =	ssyncadd.remote.s32 $0x1  }
0xbf: {  	_ =	sfence.sel $0xFFFF  }
0xc0: {  	[dreg:$0x0] =	wrdreg $0xFFFFFFFF;
	(pc) =	sbr.abs _section_cstart, $3  }
0xc1: {  	[dreg:$0x1] =	wrdreg $0xFFFFFFFF  }
0xc2: {  	_ =	task.clear_ibuf [dreg:s7], $0x2FFFF;
	_ =	strace $0x9FFFFFFF  }
0xc3: {  	(tm) =	ssettm $0x7FFFFFFF  }
tec
execute0_lowered:
.L_overlay_start_1:
0x0: {  	(tag) =	ssettag $0x1  }
0x1: {  	s23 =	rddreg [dreg:$0x0]  }
0x2: {  	s6 =	rddreg [dreg:$0x1]  }
0x3: {  	s2 =	rddreg [dreg:$0x2];
	s0 =	stileid.u32  }
0x4: {  	s3 =	simm.s32 $0x0;
	s5 =	srdreg.scid;
	s7 =	smul.u32 $0x50000, s0  }
0x5: {  	[smem:$0x7FF] =	sst s3;
	s13 =	smul.u32 $0x14000, s0  }
0x6: {  	s4 =	sadd.s32 $0x2800, s6;
	s10 =	sand.u32 $0x1, s5;
	s24 =	smul.u32 $0x2760, s0  }
0x7: {  	s5 =	sadd.s32 $0x2E00, s6;
	s21 =	sadd.s32 $0x3600, s6;
	s17 =	smul.u32 $0x140000, s10  }
0x8: {  	_ =	strace $0x80000047;
	s26 =	ssub.s32 $0x2, s10;
	s18 =	smul.u32 $0x27600, s10  }
0x9: {  	s8 =	sshrl.u32 s26, $0x1;
	s7 =	sshrl.u32 s7, $0x2;
	s14 =	sor.u32 $0x2800, s13  }
0xa: {  	s15 =	sadd.s32 $0x5000, s13;
	s16 =	sadd.s32 $0x7800, s13;
	s19 =	sadd.s32 $0xA000, s13  }
0xb: {  	s20 =	sadd.s32 $0xC800, s13;
	s25 =	sadd.s32 $0xF000, s13;
	s22 =	ssub.s32 s26, s8  }
0xc: {  	s6 =	sadd.s32 s7, s2;
	s7 =	sadd.s32 s14, s2;
	s8 =	sadd.s32 s15, s2  }
0xd: {  	s9 =	sadd.s32 s16, s2;
	s10 =	sadd.s32 s19, s2;
	s11 =	sadd.s32 s20, s2  }
0xe: {  	s12 =	sadd.s32 s25, s2;
	s24 =	sadd.s32 s24, s18;
	s30 =	sadd.s32 s13, s17  }
0xf: {  	s13 =	sadd.s32 $0x11800, s13;
	s26 =	sadd.s32 s17, s14;
	s28 =	sadd.s32 s17, s15  }
0x10: {  	s16 =	sadd.s32 s17, s16;
	s19 =	sadd.s32 s17, s19;
	s20 =	sadd.s32 s17, s20  }
0x11: {  	s25 =	sadd.s32 s17, s25;
	s18 =	sshrl.u32 s30, $0x3;
	s29 =	sadd.s32 s17, s13  }
0x12: {  	s13 =	sadd.s32 s13, s2;
	s31 =	sshrl.u32 s26, $0x3;
	s0 =	sshrl.u32 s28, $0x3  }
0x13: {  	s1 =	sshrl.u32 s16, $0x3;
	s19 =	sshrl.u32 s19, $0x3;
	s26 =	sshrl.u32 s20, $0x3  }
0x14: {  	s30 =	sshrl.u32 s25, $0x3;
	s22 =	smax.u32 s22, $0x1;
	s24 =	sshrl.u32 s24, $0x3  }
0x15: {  	s25 =	simm.s32 $0x1;
	s28 =	simm.s32 $0x70;
	s14 =	sadd.s32 s21, s18  }
0x16: {  	s15 =	sadd.s32 s21, s31;
	s16 =	sadd.s32 s21, s0;
	s17 =	sadd.s32 s21, s1  }
0x17: {  	s18 =	sadd.s32 s21, s19;
	s19 =	sadd.s32 s21, s26;
	s20 =	sadd.s32 s21, s30  }
0x18: {  	s31 =	sshrl.u32 s29, $0x3;
	s23 =	sadd.s32 s24, s23;
	s24 =	simm.s32 $0x3880  }
0x19: {  	s26 =	simm.s32 $0x80;
	s29 =	simm.s32 $0x0;
	s21 =	sadd.s32 s21, s31  }
.LBB2_1:
0x1a: {  	[tilespmem:s24], [sflag:$0x1] =	stream.linear.gather [hbm4b:s4+s3], $0x2800, $0x38;
	[tilespmem:$0x1A080] =	vst v63  }
0x1b: {  	_ =	swait.ge [sflag:s25], $0x2800  }
0x1c: {  	[sflag:s25] =	ssyncset.done $0x0  }
0x1d: {  	[sflag:s25] =	ssyncadd.s32 $0xFFFFD800  }
0x1e: {  	[spmem:s6] =	stream.linear.scatter [tilespmem:s24], [sflag:$0x1], $0x2800, $0x38;
	[tilespmem:$0x1A080] =	vst v63  }
0x1f: {  	_ =	swait.ge [sflag:s25], $0x2800  }
0x20: {  	[sflag:s25] =	ssyncset.done $0x0  }
0x21: {  	[sflag:s25] =	ssyncadd.s32 $0xFFFFD800  }
0x22: {  	[spmem:s7] =	stream.linear.scatter [tilespmem:s24], [sflag:$0x1], $0x2800, $0x38;
	[tilespmem:$0x1A080] =	vst v63  }
0x23: {  	_ =	swait.ge [sflag:s25], $0x2800  }
0x24: {  	[sflag:s25] =	ssyncset.done $0x0  }
0x25: {  	[sflag:s25] =	ssyncadd.s32 $0xFFFFD800  }
0x26: {  	[spmem:s8] =	stream.linear.scatter [tilespmem:s24], [sflag:$0x1], $0x2800, $0x38;
	[tilespmem:$0x1A080] =	vst v63  }
0x27: {  	_ =	swait.ge [sflag:s25], $0x2800  }
0x28: {  	[sflag:s25] =	ssyncset.done $0x0  }
0x29: {  	[sflag:s25] =	ssyncadd.s32 $0xFFFFD800  }
0x2a: {  	[spmem:s9] =	stream.linear.scatter [tilespmem:s24], [sflag:$0x1], $0x2800, $0x38;
	[tilespmem:$0x1A080] =	vst v63  }
0x2b: {  	_ =	swait.ge [sflag:s25], $0x2800  }
0x2c: {  	[sflag:s25] =	ssyncset.done $0x0  }
0x2d: {  	[sflag:s25] =	ssyncadd.s32 $0xFFFFD800  }
0x2e: {  	[spmem:s10] =	stream.linear.scatter [tilespmem:s24], [sflag:$0x1], $0x2800, $0x38;
	[tilespmem:$0x1A080] =	vst v63  }
0x2f: {  	_ =	swait.ge [sflag:s25], $0x2800  }
0x30: {  	[sflag:s25] =	ssyncset.done $0x0  }
0x31: {  	[sflag:s25] =	ssyncadd.s32 $0xFFFFD800  }
0x32: {  	[spmem:s11] =	stream.linear.scatter [tilespmem:s24], [sflag:$0x1], $0x2800, $0x38;
	[tilespmem:$0x1A080] =	vst v63  }
0x33: {  	_ =	swait.ge [sflag:s25], $0x2800  }
0x34: {  	[sflag:s25] =	ssyncset.done $0x0  }
0x35: {  	[sflag:s25] =	ssyncadd.s32 $0xFFFFD800  }
0x36: {  	[spmem:s12] =	stream.linear.scatter [tilespmem:s24], [sflag:$0x1], $0x2800, $0x38;
	[tilespmem:$0x1A080] =	vst v63  }
0x37: {  	_ =	swait.ge [sflag:s25], $0x2800  }
0x38: {  	[sflag:s25] =	ssyncset.done $0x0  }
0x39: {  	[sflag:s25] =	ssyncadd.s32 $0xFFFFD800  }
0x3a: {  	[spmem:s13] =	stream.linear.scatter [tilespmem:s24], [sflag:$0x1], $0x2800, $0x38;
	[tilespmem:$0x1A080] =	vst v63  }
0x3b: {  	_ =	swait.ge [sflag:s25], $0x2800  }
0x3c: {  	[sflag:s25] =	ssyncset.done $0x0  }
0x3d: {  	[sflag:s25] =	ssyncadd.s32 $0xFFFFD800  }
0x3e: {  	[tilespmem:s26], [sflag:$0x1] =	stream.linear.gather [hbm4b:s5+s3], $0x3800, $0x38;
	[tilespmem:$0x1A080] =	vst v63  }
0x3f: {  	_ =	swait.ge [sflag:s25], $0x3800  }
0x40: {  	[sflag:s25] =	ssyncset.done $0x0  }
0x41: {  	[sflag:s25] =	ssyncadd.s32 $0xFFFFC800  }
0x42: {  	s30 =	sadd.s32 $0x0, s23;
	[bflag:$0x0] =	sbarrier.arrive $0xFFFF  }
0x43: {  	[tilespmem:s3], [sflag:$0x1] =	stream.linear.gather [hbm4b:s30+s3], $0x70, $0x38;
	[tilespmem:$0x1A080] =	vst v63  }
0x44: {  	_ =	swait.ge [sflag:s25], $0x70  }
0x45: {  	[sflag:s25] =	ssyncset.done $0x0  }
0x46: {  	[sflag:s25] =	ssyncadd.s32 $0xFFFFFF90  }
0x47: {  	[spmem:s2] =	stream.indirect.scatter.add.f32 [tilespmem:s26], [sflag:$0x1], $0x80, s3, s28, $0xb8;
	[tilespmem:$0x1A080] =	vst v63  }
0x48: {  	_ =	swait.ge [sflag:s25], $0x3800  }
0x49: {  	s31 =	simm.s32 $0x1C;
	s30 =	simm.s32 $0xE;
	[sflag:s25] =	ssyncset.done $0x0  }
.LBB2_2:
0x4a: {  	s0 =	sadd.s32 s30, s23  }
0x4b: {  	[sflag:s25] =	ssyncadd.s32 $0xFFFFC800;
	s30 =	smov.u32 s31;
	s1 =	sadd.s32 $0xE, s31  }
0x4c: {  	[tilespmem:s3], [sflag:$0x1] =	stream.linear.gather [hbm4b:s0+s3], $0x70, $0x38;
	[tilespmem:$0x1A080] =	vst v63  }
0x4d: {  	p0 =	sne.s32 s31, $0x4DE;
	_ =	swait.ge [sflag:s25], $0x70  }
.Ltmp0:
0x4e: {  	[sflag:s25] =	ssyncset.done $0x0;
	(pc) =	sbr.rel @p0 .LBB2_2-.Ltmp0, $4  }
0x4f: {  	[sflag:s25] =	ssyncadd.s32 $0xFFFFFF90  }
0x50: {  	[spmem:s2] =	stream.indirect.scatter.add.f32 [tilespmem:s26], [sflag:$0x1], $0x80, s3, s28, $0xb8;
	[tilespmem:$0x1A080] =	vst v63  }
0x51: {  	_ =	swait.ge [sflag:s25], $0x3800  }
0x52: {  	s31 =	smov.u32 s1;
	[sflag:s25] =	ssyncset.done $0x0  }
0x53: {  	s0 =	sadd.s32 s30, s23;
	[sflag:s25] =	ssyncadd.s32 $0xFFFFC800  }
0x54: {  	[tilespmem:s3], [sflag:$0x1] =	stream.linear.gather [hbm4b:s0+s3], $0x70, $0x38;
	[tilespmem:$0x1A080] =	vst v63  }
0x55: {  	_ =	swait.ge [sflag:s25], $0x70  }
0x56: {  	[sflag:s25] =	ssyncset.done $0x0  }
0x57: {  	[sflag:s25] =	ssyncadd.s32 $0xFFFFFF90  }
0x58: {  	[spmem:s2] =	stream.indirect.scatter.add.f32 [tilespmem:s26], [sflag:$0x1], $0x80, s3, s28, $0xb8;
	[tilespmem:$0x1A080] =	vst v63  }
0x59: {  	_ =	swait.ge [sflag:s25], $0x3800  }
0x5a: {  	[sflag:s25] =	ssyncset.done $0x0  }
0x5b: {  	[sflag:s25] =	ssyncadd.s32 $0xFFFFC800  }
0x5c: {  	[bflag:$0x0] =	sbarrier.arrive $0xFFFF  }
0x5d: {  	[tilespmem:s24], [sflag:$0x1] =	stream.linear.gather [spmem:s6], $0x2800, $0x38;
	[tilespmem:$0x1A080] =	vst v63  }
0x5e: {  	_ =	swait.ge [sflag:s25], $0x2800  }
0x5f: {  	[sflag:s25] =	ssyncset.done $0x0  }
0x60: {  	[sflag:s25] =	ssyncadd.s32 $0xFFFFD800  }
0x61: {  	[hbm4b:s14+s3] =	stream.linear.scatter [tilespmem:s24], [sflag:$0x1], $0x2800, $0x38;
	[tilespmem:$0x1A080] =	vst v63  }
0x62: {  	_ =	swait.ge [sflag:s25], $0x2800  }
0x63: {  	[sflag:s25] =	ssyncset.done $0x0  }
0x64: {  	[sflag:s25] =	ssyncadd.s32 $0xFFFFD800  }
0x65: {  	[tilespmem:s24], [sflag:$0x1] =	stream.linear.gather [spmem:s7], $0x2800, $0x38;
	[tilespmem:$0x1A080] =	vst v63  }
0x66: {  	_ =	swait.ge [sflag:s25], $0x2800  }
0x67: {  	[sflag:s25] =	ssyncset.done $0x0  }
0x68: {  	[sflag:s25] =	ssyncadd.s32 $0xFFFFD800  }
0x69: {  	[hbm4b:s15+s3] =	stream.linear.scatter [tilespmem:s24], [sflag:$0x1], $0x2800, $0x38;
	[tilespmem:$0x1A080] =	vst v63  }
0x6a: {  	_ =	swait.ge [sflag:s25], $0x2800  }
0x6b: {  	[sflag:s25] =	ssyncset.done $0x0  }
0x6c: {  	[sflag:s25] =	ssyncadd.s32 $0xFFFFD800  }
0x6d: {  	[tilespmem:s24], [sflag:$0x1] =	stream.linear.gather [spmem:s8], $0x2800, $0x38;
	[tilespmem:$0x1A080] =	vst v63  }
0x6e: {  	_ =	swait.ge [sflag:s25], $0x2800  }
0x6f: {  	[sflag:s25] =	ssyncset.done $0x0  }
0x70: {  	[sflag:s25] =	ssyncadd.s32 $0xFFFFD800  }
0x71: {  	[hbm4b:s16+s3] =	stream.linear.scatter [tilespmem:s24], [sflag:$0x1], $0x2800, $0x38;
	[tilespmem:$0x1A080] =	vst v63  }
0x72: {  	_ =	swait.ge [sflag:s25], $0x2800  }
0x73: {  	[sflag:s25] =	ssyncset.done $0x0  }
0x74: {  	[sflag:s25] =	ssyncadd.s32 $0xFFFFD800  }
0x75: {  	[tilespmem:s24], [sflag:$0x1] =	stream.linear.gather [spmem:s9], $0x2800, $0x38;
	[tilespmem:$0x1A080] =	vst v63  }
0x76: {  	_ =	swait.ge [sflag:s25], $0x2800  }
0x77: {  	[sflag:s25] =	ssyncset.done $0x0  }
0x78: {  	[sflag:s25] =	ssyncadd.s32 $0xFFFFD800  }
0x79: {  	[hbm4b:s17+s3] =	stream.linear.scatter [tilespmem:s24], [sflag:$0x1], $0x2800, $0x38;
	[tilespmem:$0x1A080] =	vst v63  }
0x7a: {  	_ =	swait.ge [sflag:s25], $0x2800  }
0x7b: {  	[sflag:s25] =	ssyncset.done $0x0  }
0x7c: {  	[sflag:s25] =	ssyncadd.s32 $0xFFFFD800  }
0x7d: {  	[tilespmem:s24], [sflag:$0x1] =	stream.linear.gather [spmem:s10], $0x2800, $0x38;
	[tilespmem:$0x1A080] =	vst v63  }
0x7e: {  	_ =	swait.ge [sflag:s25], $0x2800  }
0x7f: {  	[sflag:s25] =	ssyncset.done $0x0  }
0x80: {  	[sflag:s25] =	ssyncadd.s32 $0xFFFFD800  }
0x81: {  	[hbm4b:s18+s3] =	stream.linear.scatter [tilespmem:s24], [sflag:$0x1], $0x2800, $0x38;
	[tilespmem:$0x1A080] =	vst v63  }
0x82: {  	_ =	swait.ge [sflag:s25], $0x2800  }
0x83: {  	[sflag:s25] =	ssyncset.done $0x0  }
0x84: {  	[sflag:s25] =	ssyncadd.s32 $0xFFFFD800  }
0x85: {  	[tilespmem:s24], [sflag:$0x1] =	stream.linear.gather [spmem:s11], $0x2800, $0x38;
	[tilespmem:$0x1A080] =	vst v63  }
0x86: {  	_ =	swait.ge [sflag:s25], $0x2800  }
0x87: {  	[sflag:s25] =	ssyncset.done $0x0  }
0x88: {  	[sflag:s25] =	ssyncadd.s32 $0xFFFFD800  }
0x89: {  	[hbm4b:s19+s3] =	stream.linear.scatter [tilespmem:s24], [sflag:$0x1], $0x2800, $0x38;
	[tilespmem:$0x1A080] =	vst v63  }
0x8a: {  	_ =	swait.ge [sflag:s25], $0x2800  }
0x8b: {  	[sflag:s25] =	ssyncset.done $0x0  }
0x8c: {  	[sflag:s25] =	ssyncadd.s32 $0xFFFFD800  }
0x8d: {  	[tilespmem:s24], [sflag:$0x1] =	stream.linear.gather [spmem:s12], $0x2800, $0x38;
	[tilespmem:$0x1A080] =	vst v63  }
0x8e: {  	_ =	swait.ge [sflag:s25], $0x2800  }
0x8f: {  	[sflag:s25] =	ssyncset.done $0x0  }
0x90: {  	[sflag:s25] =	ssyncadd.s32 $0xFFFFD800  }
0x91: {  	[hbm4b:s20+s3] =	stream.linear.scatter [tilespmem:s24], [sflag:$0x1], $0x2800, $0x38;
	[tilespmem:$0x1A080] =	vst v63  }
0x92: {  	_ =	swait.ge [sflag:s25], $0x2800  }
0x93: {  	[sflag:s25] =	ssyncset.done $0x0  }
0x94: {  	[sflag:s25] =	ssyncadd.s32 $0xFFFFD800  }
0x95: {  	[tilespmem:s24], [sflag:$0x1] =	stream.linear.gather [spmem:s13], $0x2800, $0x38;
	[tilespmem:$0x1A080] =	vst v63  }
0x96: {  	s29 =	sadd.s32 $0x1, s29;
	_ =	swait.ge [sflag:s25], $0x2800  }
0x97: {  	p0 =	sne.s32 s29, s22;
	[sflag:s25] =	ssyncset.done $0x0  }
.Ltmp1:
0x98: {  	[sflag:s25] =	ssyncadd.s32 $0xFFFFD800;
	(pc) =	sbr.rel @p0 .LBB2_1-.Ltmp1, $4  }
0x99: {  	[hbm4b:s21+s3] =	stream.linear.scatter [tilespmem:s24], [sflag:$0x1], $0x2800, $0x38;
	[tilespmem:$0x1A080] =	vst v63  }
0x9a: {  	_ =	swait.ge [sflag:s25], $0x2800  }
0x9b: {  	[sflag:s25] =	ssyncset.done $0x0  }
0x9c: {  	[sflag:s25] =	ssyncadd.s32 $0xFFFFD800  }
0x9d: {  	_ =	sfence.sel $0x180000  }
0x9e: {  	[bflag:$0x0] =	sbarrier.arrive $0xFFFF  }
0x9f: {  	_ =	strace $0x90000047  }
0xa0: {  	s0 =	stileid.u32;
	[bflag:$0x2] =	sbarrier.arrive $0xFFFF  }
0xa1: {  	p0 =	sne.s32 s0, $0x0;
	s0 =	rddreg [dreg:$0x3]  }
0xa2: {  	s0 =	sadd.s32 @!p0 $0x100000, s0  }
0xa3: {  	[sflag:s0] =	ssyncadd.tile.s32 @!p0 $0x1;
	_ =	shalt  }
.Lfunc_end2:
_tile_overlayer_lowered:
.L_overlay_start_2:
0xa4: {  	(tag) =	ssettag $0x2  }
0xa5: {  	s0 =	rddreg [dreg:$0x0];
	s2 =	stileid.u32  }
0xa6: {  	s1 =	rddreg [dreg:$0x1];
	p0 =	sne.s32 s2, $0x0  }
0xa7: {  	s3 =	rddreg [dreg:$0x2];
	[bflag:$0x3] =	sbarrier.arrive $0xFFFF;
	s2 =	simm.s32 @!p0 $0x1C01  }
0xa8: {  	[timem:s3], [sflag:s2] =	dma.local @!p0 [hbm:s0], s1  }
0xa9: {  	s0 =	simm.s32 @!p0 $0x1  }
0xaa: {  	_ =	swait.ge @!p0 [sflag:s0], s1  }
0xab: {  	s1 =	ssub.s32 @!p0 $0x0, s1;
	[sflag:s0] =	ssyncset.done @!p0 $0x0  }
0xac: {  	[sflag:s0] =	ssyncadd.s32 @!p0 s1  }
0xad: {  	[bflag:$0x3] =	sbarrier.arrive $0xFFFF  }
0xae: {  	_ =	shalt  }

</sc_bundles>
